<compile_context>
chip_gen: v7x
topology: tpu7x:2x2x1
jax: 0.10.2.dev20260603
libtpu: 0.0.44.dev20260713+nightly
codegen_flags: <defaults>
</compile_context>

<pallas_src>
import functools

import jax
import jax.numpy as jnp
from jax import lax
from jax.experimental import pallas as pl
from jax.experimental.pallas import tpu as pltpu
from jax.experimental.pallas import tpu_sc as plsc

_DIM = 64
_TAB = 4096
_B = 16384

_CHUNK = 128


def _prep_body(xr_ref, table_ref, idx_ref):
    xv = xr_ref[...]
    ml = jnp.floor(jnp.max(xv)) + jnp.float32(1.0)
    idx_ref[...] = ((xv / ml) * (ml - jnp.float32(1.0))).astype(jnp.int32)
    c = lax.broadcasted_iota(jnp.int32, (_TAB // 2, 2 * _DIM), 1)
    m = lax.broadcasted_iota(jnp.int32, (_TAB // 2, 2 * _DIM), 0)
    pos = (2 * m + (c // _DIM)).astype(jnp.float32)
    col = c % _DIM
    dt = jnp.exp((col & ~1).astype(jnp.float32) * (-jnp.log(ml) / _DIM))
    ang = pos * dt + jnp.where((col & 1) == 0, 0.0, jnp.float32(jnp.pi / 2))
    table_ref[...] = jnp.sin(ang)


_prep = pl.pallas_call(
    _prep_body,
    out_shape=(
        jax.ShapeDtypeStruct((_TAB // 2, 2 * _DIM), jnp.float32),
        jax.ShapeDtypeStruct((_B * 2 // 128, 128), jnp.int32),
    ),
)


@functools.cache
def _make_gather_add():
    info = plsc.get_sparse_core_info()
    nc, ns = info.num_cores, info.num_subcores
    nw = nc * ns
    rpw = _B // nw
    nblk = rpw // _CHUNK

    @functools.partial(
        pl.kernel,
        mesh=plsc.VectorSubcoreMesh(core_axis_name="c", subcore_axis_name="s"),
        out_type=jax.ShapeDtypeStruct((_B, _DIM), jnp.float32),
        scratch_types=[
            pltpu.VMEM((2 * nblk, _CHUNK), jnp.int32),
            pltpu.VMEM((rpw, _DIM), jnp.float32),
            [pltpu.SemaphoreType.DMA] * 4,
            [pltpu.SemaphoreType.DMA] * 4,
            pltpu.SemaphoreType.DMA,
        ],
        compiler_params=pltpu.CompilerParams(use_tc_tiling_on_sc=False),
    )
    def _gather_add(table_hbm, idx_hbm, out_hbm, idx_v, g_v, gsems, asems, osem):
        wid = lax.axis_index("s") * nc + lax.axis_index("c")
        pltpu.sync_copy(idx_hbm.at[pl.ds(wid * 2 * nblk, 2 * nblk)], idx_v)
        gathers = [
            pltpu.async_copy(
                table_hbm.at[idx_v.at[2 * t]],
                g_v.at[pl.ds(t * _CHUNK, _CHUNK)],
                gsems[t],
            )
            for t in range(nblk)
        ]
        base = wid * rpw
        adds = []
        writes = []
        for t in range(nblk):
            gathers[t].wait()
            adds.append(
                pltpu.async_copy(
                    table_hbm.at[idx_v.at[2 * t + 1]],
                    g_v.at[pl.ds(t * _CHUNK, _CHUNK)],
                    asems[t],
                    add=True,
                )
            )
        for t in range(nblk):
            adds[t].wait()
            writes.append(
                pltpu.async_copy(
                    g_v.at[pl.ds(t * _CHUNK, _CHUNK)],
                    out_hbm.at[pl.ds(base + t * _CHUNK, _CHUNK)],
                    osem,
                )
            )
        for wr in writes:
            wr.wait()

    return _gather_add


_FR = 512
_FSUB = 8


def _finish_body(v_ref, o_ref, p0_ref):
    @pl.when(pl.program_id(0) == 0)
    def _():
        p = lax.broadcasted_iota(jnp.int32, (_FR, 2 * _FR), 0)
        m = lax.broadcasted_iota(jnp.int32, (_FR, 2 * _FR), 1)
        p0_ref[...] = (m == 2 * p).astype(jnp.float32)

    p0 = p0_ref[...]
    for h in range(_FSUB):
        v = v_ref[pl.ds(h * _FR, _FR), :]
        r1 = lax.dot_general(v, p0, (((0,), (0,)), ((), ())),
                             preferred_element_type=jnp.float32)
        r2 = r1[_DIM:2 * _DIM]
        r2r = jnp.concatenate([r2[:, 2 * _FR - 1:], r2[:, 0:2 * _FR - 1]],
                              axis=1)
        o_ref[:, pl.ds(h * 2 * _FR, 2 * _FR)] = r1[0:_DIM] + r2r


_finish = pl.pallas_call(
    _finish_body,
    grid=(_B // 2 // (_FR * _FSUB),),
    in_specs=[pl.BlockSpec((_FR * _FSUB, 128), lambda g: (g, 0))],
    out_specs=pl.BlockSpec((_DIM, 2 * _FR * _FSUB), lambda g: (0, g)),
    out_shape=jax.ShapeDtypeStruct((_DIM, _B), jnp.float32),
    scratch_shapes=[pltpu.VMEM((_FR, 2 * _FR), jnp.float32)],
)


def kernel(x):
    y = x.reshape(128, 128, 2).transpose(0, 2, 1).reshape(_B * 2 // 128, 128)
    table2, idx = _prep(y)
    table = table2.reshape(_TAB, _DIM)
    s = _make_gather_add()(table, idx)
    out64 = _finish(s.reshape(_B // 2, 2 * _DIM))
    return out64.T

# --- scband reference (transcript-rebuilt; emitter-appended) ---
"""Pipeline reference for scband-positional-encoding-37074157699311 (READ-ONLY COPY).

The authoritative reference and input builder live on the scoring server;
editing this copy changes nothing except your own understanding.
"""

import jax, jax.numpy as jnp
import numpy as np

DIM = 64

def setup_inputs(seed: int = 0) -> dict:
    key = jax.random.key(seed)
    # (batch, 2) integer-valued spot coordinates stored as float32, like the torch module expects
    x = jax.random.randint(key, (16384, 2), 0, 4096).astype(jnp.float32)
    return {"x": x}

def reference(x):
    # compute_max_len: max over both coordinate columns (kept traced; coords are exact integers)
    max_x = jnp.max(x[:, 0])
    max_y = jnp.max(x[:, 1])
    max_len = jnp.floor(jnp.maximum(max_x, max_y)) + jnp.float32(1.0)
    # sinusoidal encoding evaluated directly at the gathered indices
    div_term = jnp.exp(jnp.arange(0, DIM, 2, dtype=jnp.float32) * (-jnp.log(max_len) / DIM))
    # forward
    x_normalized = x / max_len
    idx0 = (x_normalized[:, 0] * (max_len - 1)).astype(jnp.int32)
    idx1 = (x_normalized[:, 1] * (max_len - 1)).astype(jnp.int32)

    def pe_rows(idx):
        position = idx.astype(jnp.float32)[:, None]
        ang = position * div_term
        rows = jnp.zeros((idx.shape[0], DIM), dtype=jnp.float32)
        rows = rows.at[:, 0::2].set(jnp.sin(ang))
        rows = rows.at[:, 1::2].set(jnp.cos(ang))
        return rows

    x_encoded = pe_rows(idx0) + pe_rows(idx1)
    return x_encoded

if __name__ == "__main__":
    import jax
    _d = setup_inputs()
    print(jax.jit(kernel)(*tuple(_d.values())))

</pallas_src>

<mosaic_0001>
#map = affine_map<(d0, d1) -> (0, 0)>
module attributes {stable_mosaic.version = 14 : i64} {
  func.func @_gather_add(%arg0: i32, %arg1: i32, %arg2: memref<4096x64xf32, #tpu.memory_space<hbm>>, %arg3: memref<256x128xi32, #tpu.memory_space<hbm>>, %arg4: memref<16384x64xf32, #tpu.memory_space<hbm>>, %arg5: memref<8x128xi32, #tpu.memory_space<vmem>>, %arg6: memref<512x64xf32, #tpu.memory_space<vmem>>, %arg7: memref<!tpu.dma_semaphore, #tpu.memory_space<semaphore_mem>>, %arg8: memref<!tpu.dma_semaphore, #tpu.memory_space<semaphore_mem>>, %arg9: memref<!tpu.dma_semaphore, #tpu.memory_space<semaphore_mem>>, %arg10: memref<!tpu.dma_semaphore, #tpu.memory_space<semaphore_mem>>, %arg11: memref<!tpu.dma_semaphore, #tpu.memory_space<semaphore_mem>>, %arg12: memref<!tpu.dma_semaphore, #tpu.memory_space<semaphore_mem>>, %arg13: memref<!tpu.dma_semaphore, #tpu.memory_space<semaphore_mem>>, %arg14: memref<!tpu.dma_semaphore, #tpu.memory_space<semaphore_mem>>, %arg15: memref<!tpu.dma_semaphore, #tpu.memory_space<semaphore_mem>>) attributes {dimension_semantics = [#tpu.dimension_semantics<core_parallel>, #tpu.dimension_semantics<subcore_parallel>], iteration_bounds = array<i64: 2, 16>, scalar_prefetch = 0 : i64, scratch_operands = 11 : i64, tpu.core_type = #tpu.core_type<sc_vector_subcore>, window_params = [{transform_indices = #map}, {transform_indices = #map}, {transform_indices = #map}]} {
    %mul3A = arith.constant 2 : i32
    %mul3A_0 = arith.muli %arg1, %mul3A : i32
    %add3A = arith.addi %mul3A_0, %arg0 : i32
    %mul3A_1 = arith.constant 2 : i32
    %mul3A_2 = arith.muli %add3A, %mul3A_1 : i32
    %mul3A_3 = arith.constant 4 : i32
    %mul3A_4 = arith.muli %mul3A_2, %mul3A_3 : i32
    "tpu.region"() ({
      %run_scoped3A = tpu.sem_alloc : memref<!tpu.dma_semaphore, #tpu.memory_space<semaphore_mem>>
      %dma_start3A_253 = arith.constant 0 : i32
      %dma_start3A_254 = tpu.memref_slice %arg3[%mul3A_4, %dma_start3A_253] : memref<256x128xi32, #tpu.memory_space<hbm>> -> memref<8x128xi32, #tpu.memory_space<hbm>>
      %dma_start3A_255 = arith.constant 0 : i32
      %dma_start3A_256 = tpu.memref_slice %arg3[%mul3A_4, %dma_start3A_255] : memref<256x128xi32, #tpu.memory_space<hbm>> -> memref<8x128xi32, #tpu.memory_space<hbm>>
      tpu.enqueue_dma source(%dma_start3A_256 : memref<8x128xi32, #tpu.memory_space<hbm>>) target(%arg5 : memref<8x128xi32, #tpu.memory_space<vmem>>) target_semaphore(%run_scoped3A : memref<!tpu.dma_semaphore, #tpu.memory_space<semaphore_mem>>)
      %dma_wait3A_257 = arith.constant 0 : i32
      %dma_wait3A_258 = tpu.memref_slice %arg3[%mul3A_4, %dma_wait3A_257] : memref<256x128xi32, #tpu.memory_space<hbm>> -> memref<8x128xi32, #tpu.memory_space<hbm>>
      %dma_wait3A_259 = arith.constant 0 : i32
      %dma_wait3A_260 = tpu.memref_slice %arg3[%mul3A_4, %dma_wait3A_259] : memref<256x128xi32, #tpu.memory_space<hbm>> -> memref<8x128xi32, #tpu.memory_space<hbm>>
      tpu.wait_dma2 semaphore(%run_scoped3A : memref<!tpu.dma_semaphore, #tpu.memory_space<semaphore_mem>>) src(%dma_wait3A_260 : memref<8x128xi32, #tpu.memory_space<hbm>>) dst(%arg5 : memref<8x128xi32, #tpu.memory_space<vmem>>)
      tpu.yield
    }) : () -> ()
    %dma_start3A = arith.constant 0 : i32
    %dma_start3A_5 = arith.constant 0 : i32
    %dma_start3A_6 = arith.constant 0 : i32
    %dma_start3A_7 = tpu.memref_slice %arg6[%dma_start3A_5, %dma_start3A_6] : memref<512x64xf32, #tpu.memory_space<vmem>> -> memref<128x64xf32, #tpu.memory_space<vmem>>
    %dma_start3A_8 = arith.constant 0 : i32
    %dma_start3A_9 = tpu.memref_slice %arg5[%dma_start3A, %dma_start3A_8] : memref<8x128xi32, #tpu.memory_space<vmem>> -> memref<1x128xi32, #tpu.memory_space<vmem>>
    %dma_start3A_10 = tpu.memref_squeeze %dma_start3A_9 : memref<1x128xi32, #tpu.memory_space<vmem>> -> memref<128xi32, #tpu.memory_space<vmem>>
    %dma_start3A_11 = arith.constant 0 : i32
    %dma_start3A_12 = arith.constant 0 : i32
    %dma_start3A_13 = tpu.memref_slice %arg2[%dma_start3A_11, %dma_start3A_12] : memref<4096x64xf32, #tpu.memory_space<hbm>> -> memref<4096x64xf32, #tpu.memory_space<hbm>>
    tpu.enqueue_indirect_dma source(%dma_start3A_13 : memref<4096x64xf32, #tpu.memory_space<hbm>>) target(%dma_start3A_7 : memref<128x64xf32, #tpu.memory_space<vmem>>) offsets(%dma_start3A_10 : memref<128xi32, #tpu.memory_space<vmem>>) semaphore(%arg7 : memref<!tpu.dma_semaphore, #tpu.memory_space<semaphore_mem>>)
    %dma_start3A_14 = arith.constant 2 : i32
    %dma_start3A_15 = arith.constant 128 : i32
    %dma_start3A_16 = arith.constant 0 : i32
    %dma_start3A_17 = tpu.memref_slice %arg6[%dma_start3A_15, %dma_start3A_16] : memref<512x64xf32, #tpu.memory_space<vmem>> -> memref<128x64xf32, #tpu.memory_space<vmem>>
    %dma_start3A_18 = arith.constant 0 : i32
    %dma_start3A_19 = tpu.memref_slice %arg5[%dma_start3A_14, %dma_start3A_18] : memref<8x128xi32, #tpu.memory_space<vmem>> -> memref<1x128xi32, #tpu.memory_space<vmem>>
    %dma_start3A_20 = tpu.memref_squeeze %dma_start3A_19 : memref<1x128xi32, #tpu.memory_space<vmem>> -> memref<128xi32, #tpu.memory_space<vmem>>
    %dma_start3A_21 = arith.constant 0 : i32
    %dma_start3A_22 = arith.constant 0 : i32
    %dma_start3A_23 = tpu.memref_slice %arg2[%dma_start3A_21, %dma_start3A_22] : memref<4096x64xf32, #tpu.memory_space<hbm>> -> memref<4096x64xf32, #tpu.memory_space<hbm>>
    tpu.enqueue_indirect_dma source(%dma_start3A_23 : memref<4096x64xf32, #tpu.memory_space<hbm>>) target(%dma_start3A_17 : memref<128x64xf32, #tpu.memory_space<vmem>>) offsets(%dma_start3A_20 : memref<128xi32, #tpu.memory_space<vmem>>) semaphore(%arg8 : memref<!tpu.dma_semaphore, #tpu.memory_space<semaphore_mem>>)
    %dma_start3A_24 = arith.constant 4 : i32
    %dma_start3A_25 = arith.constant 256 : i32
    %dma_start3A_26 = arith.constant 0 : i32
    %dma_start3A_27 = tpu.memref_slice %arg6[%dma_start3A_25, %dma_start3A_26] : memref<512x64xf32, #tpu.memory_space<vmem>> -> memref<128x64xf32, #tpu.memory_space<vmem>>
    %dma_start3A_28 = arith.constant 0 : i32
    %dma_start3A_29 = tpu.memref_slice %arg5[%dma_start3A_24, %dma_start3A_28] : memref<8x128xi32, #tpu.memory_space<vmem>> -> memref<1x128xi32, #tpu.memory_space<vmem>>
    %dma_start3A_30 = tpu.memref_squeeze %dma_start3A_29 : memref<1x128xi32, #tpu.memory_space<vmem>> -> memref<128xi32, #tpu.memory_space<vmem>>
    %dma_start3A_31 = arith.constant 0 : i32
    %dma_start3A_32 = arith.constant 0 : i32
    %dma_start3A_33 = tpu.memref_slice %arg2[%dma_start3A_31, %dma_start3A_32] : memref<4096x64xf32, #tpu.memory_space<hbm>> -> memref<4096x64xf32, #tpu.memory_space<hbm>>
    tpu.enqueue_indirect_dma source(%dma_start3A_33 : memref<4096x64xf32, #tpu.memory_space<hbm>>) target(%dma_start3A_27 : memref<128x64xf32, #tpu.memory_space<vmem>>) offsets(%dma_start3A_30 : memref<128xi32, #tpu.memory_space<vmem>>) semaphore(%arg9 : memref<!tpu.dma_semaphore, #tpu.memory_space<semaphore_mem>>)
    %dma_start3A_34 = arith.constant 6 : i32
    %dma_start3A_35 = arith.constant 384 : i32
    %dma_start3A_36 = arith.constant 0 : i32
    %dma_start3A_37 = tpu.memref_slice %arg6[%dma_start3A_35, %dma_start3A_36] : memref<512x64xf32, #tpu.memory_space<vmem>> -> memref<128x64xf32, #tpu.memory_space<vmem>>
    %dma_start3A_38 = arith.constant 0 : i32
    %dma_start3A_39 = tpu.memref_slice %arg5[%dma_start3A_34, %dma_start3A_38] : memref<8x128xi32, #tpu.memory_space<vmem>> -> memref<1x128xi32, #tpu.memory_space<vmem>>
    %dma_start3A_40 = tpu.memref_squeeze %dma_start3A_39 : memref<1x128xi32, #tpu.memory_space<vmem>> -> memref<128xi32, #tpu.memory_space<vmem>>
    %dma_start3A_41 = arith.constant 0 : i32
    %dma_start3A_42 = arith.constant 0 : i32
    %dma_start3A_43 = tpu.memref_slice %arg2[%dma_start3A_41, %dma_start3A_42] : memref<4096x64xf32, #tpu.memory_space<hbm>> -> memref<4096x64xf32, #tpu.memory_space<hbm>>
    tpu.enqueue_indirect_dma source(%dma_start3A_43 : memref<4096x64xf32, #tpu.memory_space<hbm>>) target(%dma_start3A_37 : memref<128x64xf32, #tpu.memory_space<vmem>>) offsets(%dma_start3A_40 : memref<128xi32, #tpu.memory_space<vmem>>) semaphore(%arg10 : memref<!tpu.dma_semaphore, #tpu.memory_space<semaphore_mem>>)
    %mul3A_44 = arith.constant 512 : i32
    %mul3A_45 = arith.muli %add3A, %mul3A_44 : i32
    %dma_wait3A = arith.constant 0 : i32
    %dma_wait3A_46 = arith.constant 0 : i32
    %dma_wait3A_47 = arith.constant 0 : i32
    %dma_wait3A_48 = tpu.memref_slice %arg6[%dma_wait3A_46, %dma_wait3A_47] : memref<512x64xf32, #tpu.memory_space<vmem>> -> memref<128x64xf32, #tpu.memory_space<vmem>>
    %dma_wait3A_49 = arith.constant 0 : i32
    %dma_wait3A_50 = tpu.memref_slice %arg5[%dma_wait3A, %dma_wait3A_49] : memref<8x128xi32, #tpu.memory_space<vmem>> -> memref<1x128xi32, #tpu.memory_space<vmem>>
    %dma_wait3A_51 = tpu.memref_squeeze %dma_wait3A_50 : memref<1x128xi32, #tpu.memory_space<vmem>> -> memref<128xi32, #tpu.memory_space<vmem>>
    %dma_wait3A_52 = arith.constant 0 : i32
    %dma_wait3A_53 = arith.constant 0 : i32
    %dma_wait3A_54 = tpu.memref_slice %arg2[%dma_wait3A_52, %dma_wait3A_53] : memref<4096x64xf32, #tpu.memory_space<hbm>> -> memref<4096x64xf32, #tpu.memory_space<hbm>>
    tpu.wait_indirect_dma semaphore(%arg7 : memref<!tpu.dma_semaphore, #tpu.memory_space<semaphore_mem>>) src(%dma_wait3A_54 : memref<4096x64xf32, #tpu.memory_space<hbm>>) dst(%dma_wait3A_48 : memref<128x64xf32, #tpu.memory_space<vmem>>)
    %dma_start3A_55 = arith.constant 1 : i32
    %dma_start3A_56 = arith.constant 0 : i32
    %dma_start3A_57 = arith.constant 0 : i32
    %dma_start3A_58 = tpu.memref_slice %arg6[%dma_start3A_56, %dma_start3A_57] : memref<512x64xf32, #tpu.memory_space<vmem>> -> memref<128x64xf32, #tpu.memory_space<vmem>>
    %dma_start3A_59 = arith.constant 0 : i32
    %dma_start3A_60 = tpu.memref_slice %arg5[%dma_start3A_55, %dma_start3A_59] : memref<8x128xi32, #tpu.memory_space<vmem>> -> memref<1x128xi32, #tpu.memory_space<vmem>>
    %dma_start3A_61 = tpu.memref_squeeze %dma_start3A_60 : memref<1x128xi32, #tpu.memory_space<vmem>> -> memref<128xi32, #tpu.memory_space<vmem>>
    %dma_start3A_62 = arith.constant 0 : i32
    %dma_start3A_63 = arith.constant 0 : i32
    %dma_start3A_64 = tpu.memref_slice %arg2[%dma_start3A_62, %dma_start3A_63] : memref<4096x64xf32, #tpu.memory_space<hbm>> -> memref<4096x64xf32, #tpu.memory_space<hbm>>
    tpu.enqueue_indirect_dma source(%dma_start3A_64 : memref<4096x64xf32, #tpu.memory_space<hbm>>) target(%dma_start3A_58 : memref<128x64xf32, #tpu.memory_space<vmem>>) offsets(%dma_start3A_61 : memref<128xi32, #tpu.memory_space<vmem>>) semaphore(%arg11 : memref<!tpu.dma_semaphore, #tpu.memory_space<semaphore_mem>>) {add = true}
    %dma_wait3A_65 = arith.constant 2 : i32
    %dma_wait3A_66 = arith.constant 128 : i32
    %dma_wait3A_67 = arith.constant 0 : i32
    %dma_wait3A_68 = tpu.memref_slice %arg6[%dma_wait3A_66, %dma_wait3A_67] : memref<512x64xf32, #tpu.memory_space<vmem>> -> memref<128x64xf32, #tpu.memory_space<vmem>>
    %dma_wait3A_69 = arith.constant 0 : i32
    %dma_wait3A_70 = tpu.memref_slice %arg5[%dma_wait3A_65, %dma_wait3A_69] : memref<8x128xi32, #tpu.memory_space<vmem>> -> memref<1x128xi32, #tpu.memory_space<vmem>>
    %dma_wait3A_71 = tpu.memref_squeeze %dma_wait3A_70 : memref<1x128xi32, #tpu.memory_space<vmem>> -> memref<128xi32, #tpu.memory_space<vmem>>
    %dma_wait3A_72 = arith.constant 0 : i32
    %dma_wait3A_73 = arith.constant 0 : i32
    %dma_wait3A_74 = tpu.memref_slice %arg2[%dma_wait3A_72, %dma_wait3A_73] : memref<4096x64xf32, #tpu.memory_space<hbm>> -> memref<4096x64xf32, #tpu.memory_space<hbm>>
    tpu.wait_indirect_dma semaphore(%arg8 : memref<!tpu.dma_semaphore, #tpu.memory_space<semaphore_mem>>) src(%dma_wait3A_74 : memref<4096x64xf32, #tpu.memory_space<hbm>>) dst(%dma_wait3A_68 : memref<128x64xf32, #tpu.memory_space<vmem>>)
    %dma_start3A_75 = arith.constant 3 : i32
    %dma_start3A_76 = arith.constant 128 : i32
    %dma_start3A_77 = arith.constant 0 : i32
    %dma_start3A_78 = tpu.memref_slice %arg6[%dma_start3A_76, %dma_start3A_77] : memref<512x64xf32, #tpu.memory_space<vmem>> -> memref<128x64xf32, #tpu.memory_space<vmem>>
    %dma_start3A_79 = arith.constant 0 : i32
    %dma_start3A_80 = tpu.memref_slice %arg5[%dma_start3A_75, %dma_start3A_79] : memref<8x128xi32, #tpu.memory_space<vmem>> -> memref<1x128xi32, #tpu.memory_space<vmem>>
    %dma_start3A_81 = tpu.memref_squeeze %dma_start3A_80 : memref<1x128xi32, #tpu.memory_space<vmem>> -> memref<128xi32, #tpu.memory_space<vmem>>
    %dma_start3A_82 = arith.constant 0 : i32
    %dma_start3A_83 = arith.constant 0 : i32
    %dma_start3A_84 = tpu.memref_slice %arg2[%dma_start3A_82, %dma_start3A_83] : memref<4096x64xf32, #tpu.memory_space<hbm>> -> memref<4096x64xf32, #tpu.memory_space<hbm>>
    tpu.enqueue_indirect_dma source(%dma_start3A_84 : memref<4096x64xf32, #tpu.memory_space<hbm>>) target(%dma_start3A_78 : memref<128x64xf32, #tpu.memory_space<vmem>>) offsets(%dma_start3A_81 : memref<128xi32, #tpu.memory_space<vmem>>) semaphore(%arg12 : memref<!tpu.dma_semaphore, #tpu.memory_space<semaphore_mem>>) {add = true}
    %dma_wait3A_85 = arith.constant 4 : i32
    %dma_wait3A_86 = arith.constant 256 : i32
    %dma_wait3A_87 = arith.constant 0 : i32
    %dma_wait3A_88 = tpu.memref_slice %arg6[%dma_wait3A_86, %dma_wait3A_87] : memref<512x64xf32, #tpu.memory_space<vmem>> -> memref<128x64xf32, #tpu.memory_space<vmem>>
    %dma_wait3A_89 = arith.constant 0 : i32
    %dma_wait3A_90 = tpu.memref_slice %arg5[%dma_wait3A_85, %dma_wait3A_89] : memref<8x128xi32, #tpu.memory_space<vmem>> -> memref<1x128xi32, #tpu.memory_space<vmem>>
    %dma_wait3A_91 = tpu.memref_squeeze %dma_wait3A_90 : memref<1x128xi32, #tpu.memory_space<vmem>> -> memref<128xi32, #tpu.memory_space<vmem>>
    %dma_wait3A_92 = arith.constant 0 : i32
    %dma_wait3A_93 = arith.constant 0 : i32
    %dma_wait3A_94 = tpu.memref_slice %arg2[%dma_wait3A_92, %dma_wait3A_93] : memref<4096x64xf32, #tpu.memory_space<hbm>> -> memref<4096x64xf32, #tpu.memory_space<hbm>>
    tpu.wait_indirect_dma semaphore(%arg9 : memref<!tpu.dma_semaphore, #tpu.memory_space<semaphore_mem>>) src(%dma_wait3A_94 : memref<4096x64xf32, #tpu.memory_space<hbm>>) dst(%dma_wait3A_88 : memref<128x64xf32, #tpu.memory_space<vmem>>)
    %dma_start3A_95 = arith.constant 5 : i32
    %dma_start3A_96 = arith.constant 256 : i32
    %dma_start3A_97 = arith.constant 0 : i32
    %dma_start3A_98 = tpu.memref_slice %arg6[%dma_start3A_96, %dma_start3A_97] : memref<512x64xf32, #tpu.memory_space<vmem>> -> memref<128x64xf32, #tpu.memory_space<vmem>>
    %dma_start3A_99 = arith.constant 0 : i32
    %dma_start3A_100 = tpu.memref_slice %arg5[%dma_start3A_95, %dma_start3A_99] : memref<8x128xi32, #tpu.memory_space<vmem>> -> memref<1x128xi32, #tpu.memory_space<vmem>>
    %dma_start3A_101 = tpu.memref_squeeze %dma_start3A_100 : memref<1x128xi32, #tpu.memory_space<vmem>> -> memref<128xi32, #tpu.memory_space<vmem>>
    %dma_start3A_102 = arith.constant 0 : i32
    %dma_start3A_103 = arith.constant 0 : i32
    %dma_start3A_104 = tpu.memref_slice %arg2[%dma_start3A_102, %dma_start3A_103] : memref<4096x64xf32, #tpu.memory_space<hbm>> -> memref<4096x64xf32, #tpu.memory_space<hbm>>
    tpu.enqueue_indirect_dma source(%dma_start3A_104 : memref<4096x64xf32, #tpu.memory_space<hbm>>) target(%dma_start3A_98 : memref<128x64xf32, #tpu.memory_space<vmem>>) offsets(%dma_start3A_101 : memref<128xi32, #tpu.memory_space<vmem>>) semaphore(%arg13 : memref<!tpu.dma_semaphore, #tpu.memory_space<semaphore_mem>>) {add = true}
    %dma_wait3A_105 = arith.constant 6 : i32
    %dma_wait3A_106 = arith.constant 384 : i32
    %dma_wait3A_107 = arith.constant 0 : i32
    %dma_wait3A_108 = tpu.memref_slice %arg6[%dma_wait3A_106, %dma_wait3A_107] : memref<512x64xf32, #tpu.memory_space<vmem>> -> memref<128x64xf32, #tpu.memory_space<vmem>>
    %dma_wait3A_109 = arith.constant 0 : i32
    %dma_wait3A_110 = tpu.memref_slice %arg5[%dma_wait3A_105, %dma_wait3A_109] : memref<8x128xi32, #tpu.memory_space<vmem>> -> memref<1x128xi32, #tpu.memory_space<vmem>>
    %dma_wait3A_111 = tpu.memref_squeeze %dma_wait3A_110 : memref<1x128xi32, #tpu.memory_space<vmem>> -> memref<128xi32, #tpu.memory_space<vmem>>
    %dma_wait3A_112 = arith.constant 0 : i32
    %dma_wait3A_113 = arith.constant 0 : i32
    %dma_wait3A_114 = tpu.memref_slice %arg2[%dma_wait3A_112, %dma_wait3A_113] : memref<4096x64xf32, #tpu.memory_space<hbm>> -> memref<4096x64xf32, #tpu.memory_space<hbm>>
    tpu.wait_indirect_dma semaphore(%arg10 : memref<!tpu.dma_semaphore, #tpu.memory_space<semaphore_mem>>) src(%dma_wait3A_114 : memref<4096x64xf32, #tpu.memory_space<hbm>>) dst(%dma_wait3A_108 : memref<128x64xf32, #tpu.memory_space<vmem>>)
    %dma_start3A_115 = arith.constant 7 : i32
    %dma_start3A_116 = arith.constant 384 : i32
    %dma_start3A_117 = arith.constant 0 : i32
    %dma_start3A_118 = tpu.memref_slice %arg6[%dma_start3A_116, %dma_start3A_117] : memref<512x64xf32, #tpu.memory_space<vmem>> -> memref<128x64xf32, #tpu.memory_space<vmem>>
    %dma_start3A_119 = arith.constant 0 : i32
    %dma_start3A_120 = tpu.memref_slice %arg5[%dma_start3A_115, %dma_start3A_119] : memref<8x128xi32, #tpu.memory_space<vmem>> -> memref<1x128xi32, #tpu.memory_space<vmem>>
    %dma_start3A_121 = tpu.memref_squeeze %dma_start3A_120 : memref<1x128xi32, #tpu.memory_space<vmem>> -> memref<128xi32, #tpu.memory_space<vmem>>
    %dma_start3A_122 = arith.constant 0 : i32
    %dma_start3A_123 = arith.constant 0 : i32
    %dma_start3A_124 = tpu.memref_slice %arg2[%dma_start3A_122, %dma_start3A_123] : memref<4096x64xf32, #tpu.memory_space<hbm>> -> memref<4096x64xf32, #tpu.memory_space<hbm>>
    tpu.enqueue_indirect_dma source(%dma_start3A_124 : memref<4096x64xf32, #tpu.memory_space<hbm>>) target(%dma_start3A_118 : memref<128x64xf32, #tpu.memory_space<vmem>>) offsets(%dma_start3A_121 : memref<128xi32, #tpu.memory_space<vmem>>) semaphore(%arg14 : memref<!tpu.dma_semaphore, #tpu.memory_space<semaphore_mem>>) {add = true}
    %dma_wait3A_125 = arith.constant 1 : i32
    %dma_wait3A_126 = arith.constant 0 : i32
    %dma_wait3A_127 = arith.constant 0 : i32
    %dma_wait3A_128 = tpu.memref_slice %arg6[%dma_wait3A_126, %dma_wait3A_127] : memref<512x64xf32, #tpu.memory_space<vmem>> -> memref<128x64xf32, #tpu.memory_space<vmem>>
    %dma_wait3A_129 = arith.constant 0 : i32
    %dma_wait3A_130 = tpu.memref_slice %arg5[%dma_wait3A_125, %dma_wait3A_129] : memref<8x128xi32, #tpu.memory_space<vmem>> -> memref<1x128xi32, #tpu.memory_space<vmem>>
    %dma_wait3A_131 = tpu.memref_squeeze %dma_wait3A_130 : memref<1x128xi32, #tpu.memory_space<vmem>> -> memref<128xi32, #tpu.memory_space<vmem>>
    %dma_wait3A_132 = arith.constant 0 : i32
    %dma_wait3A_133 = arith.constant 0 : i32
    %dma_wait3A_134 = tpu.memref_slice %arg2[%dma_wait3A_132, %dma_wait3A_133] : memref<4096x64xf32, #tpu.memory_space<hbm>> -> memref<4096x64xf32, #tpu.memory_space<hbm>>
    tpu.wait_indirect_dma semaphore(%arg11 : memref<!tpu.dma_semaphore, #tpu.memory_space<semaphore_mem>>) src(%dma_wait3A_134 : memref<4096x64xf32, #tpu.memory_space<hbm>>) dst(%dma_wait3A_128 : memref<128x64xf32, #tpu.memory_space<vmem>>)
    %add3A_135 = arith.constant 0 : i32
    %add3A_136 = arith.addi %mul3A_45, %add3A_135 : i32
    %dma_start3A_137 = arith.constant 0 : i32
    %dma_start3A_138 = arith.constant 0 : i32
    %dma_start3A_139 = tpu.memref_slice %arg6[%dma_start3A_137, %dma_start3A_138] : memref<512x64xf32, #tpu.memory_space<vmem>> -> memref<128x64xf32, #tpu.memory_space<vmem>>
    %dma_start3A_140 = arith.constant 0 : i32
    %dma_start3A_141 = tpu.memref_slice %arg4[%add3A_136, %dma_start3A_140] : memref<16384x64xf32, #tpu.memory_space<hbm>> -> memref<128x64xf32, #tpu.memory_space<hbm>>
    %dma_start3A_142 = arith.constant 0 : i32
    %dma_start3A_143 = tpu.memref_slice %arg4[%add3A_136, %dma_start3A_142] : memref<16384x64xf32, #tpu.memory_space<hbm>> -> memref<128x64xf32, #tpu.memory_space<hbm>>
    %dma_start3A_144 = arith.constant 0 : i32
    %dma_start3A_145 = arith.constant 0 : i32
    %dma_start3A_146 = tpu.memref_slice %arg6[%dma_start3A_144, %dma_start3A_145] : memref<512x64xf32, #tpu.memory_space<vmem>> -> memref<128x64xf32, #tpu.memory_space<vmem>>
    tpu.enqueue_dma source(%dma_start3A_146 : memref<128x64xf32, #tpu.memory_space<vmem>>) target(%dma_start3A_143 : memref<128x64xf32, #tpu.memory_space<hbm>>) target_semaphore(%arg15 : memref<!tpu.dma_semaphore, #tpu.memory_space<semaphore_mem>>)
    %dma_wait3A_147 = arith.constant 3 : i32
    %dma_wait3A_148 = arith.constant 128 : i32
    %dma_wait3A_149 = arith.constant 0 : i32
    %dma_wait3A_150 = tpu.memref_slice %arg6[%dma_wait3A_148, %dma_wait3A_149] : memref<512x64xf32, #tpu.memory_space<vmem>> -> memref<128x64xf32, #tpu.memory_space<vmem>>
    %dma_wait3A_151 = arith.constant 0 : i32
    %dma_wait3A_152 = tpu.memref_slice %arg5[%dma_wait3A_147, %dma_wait3A_151] : memref<8x128xi32, #tpu.memory_space<vmem>> -> memref<1x128xi32, #tpu.memory_space<vmem>>
    %dma_wait3A_153 = tpu.memref_squeeze %dma_wait3A_152 : memref<1x128xi32, #tpu.memory_space<vmem>> -> memref<128xi32, #tpu.memory_space<vmem>>
    %dma_wait3A_154 = arith.constant 0 : i32
    %dma_wait3A_155 = arith.constant 0 : i32
    %dma_wait3A_156 = tpu.memref_slice %arg2[%dma_wait3A_154, %dma_wait3A_155] : memref<4096x64xf32, #tpu.memory_space<hbm>> -> memref<4096x64xf32, #tpu.memory_space<hbm>>
    tpu.wait_indirect_dma semaphore(%arg12 : memref<!tpu.dma_semaphore, #tpu.memory_space<semaphore_mem>>) src(%dma_wait3A_156 : memref<4096x64xf32, #tpu.memory_space<hbm>>) dst(%dma_wait3A_150 : memref<128x64xf32, #tpu.memory_space<vmem>>)
    %add3A_157 = arith.constant 128 : i32
    %add3A_158 = arith.addi %mul3A_45, %add3A_157 : i32
    %dma_start3A_159 = arith.constant 128 : i32
    %dma_start3A_160 = arith.constant 0 : i32
    %dma_start3A_161 = tpu.memref_slice %arg6[%dma_start3A_159, %dma_start3A_160] : memref<512x64xf32, #tpu.memory_space<vmem>> -> memref<128x64xf32, #tpu.memory_space<vmem>>
    %dma_start3A_162 = arith.constant 0 : i32
    %dma_start3A_163 = tpu.memref_slice %arg4[%add3A_158, %dma_start3A_162] : memref<16384x64xf32, #tpu.memory_space<hbm>> -> memref<128x64xf32, #tpu.memory_space<hbm>>
    %dma_start3A_164 = arith.constant 0 : i32
    %dma_start3A_165 = tpu.memref_slice %arg4[%add3A_158, %dma_start3A_164] : memref<16384x64xf32, #tpu.memory_space<hbm>> -> memref<128x64xf32, #tpu.memory_space<hbm>>
    %dma_start3A_166 = arith.constant 128 : i32
    %dma_start3A_167 = arith.constant 0 : i32
    %dma_start3A_168 = tpu.memref_slice %arg6[%dma_start3A_166, %dma_start3A_167] : memref<512x64xf32, #tpu.memory_space<vmem>> -> memref<128x64xf32, #tpu.memory_space<vmem>>
    tpu.enqueue_dma source(%dma_start3A_168 : memref<128x64xf32, #tpu.memory_space<vmem>>) target(%dma_start3A_165 : memref<128x64xf32, #tpu.memory_space<hbm>>) target_semaphore(%arg15 : memref<!tpu.dma_semaphore, #tpu.memory_space<semaphore_mem>>)
    %dma_wait3A_169 = arith.constant 5 : i32
    %dma_wait3A_170 = arith.constant 256 : i32
    %dma_wait3A_171 = arith.constant 0 : i32
    %dma_wait3A_172 = tpu.memref_slice %arg6[%dma_wait3A_170, %dma_wait3A_171] : memref<512x64xf32, #tpu.memory_space<vmem>> -> memref<128x64xf32, #tpu.memory_space<vmem>>
    %dma_wait3A_173 = arith.constant 0 : i32
    %dma_wait3A_174 = tpu.memref_slice %arg5[%dma_wait3A_169, %dma_wait3A_173] : memref<8x128xi32, #tpu.memory_space<vmem>> -> memref<1x128xi32, #tpu.memory_space<vmem>>
    %dma_wait3A_175 = tpu.memref_squeeze %dma_wait3A_174 : memref<1x128xi32, #tpu.memory_space<vmem>> -> memref<128xi32, #tpu.memory_space<vmem>>
    %dma_wait3A_176 = arith.constant 0 : i32
    %dma_wait3A_177 = arith.constant 0 : i32
    %dma_wait3A_178 = tpu.memref_slice %arg2[%dma_wait3A_176, %dma_wait3A_177] : memref<4096x64xf32, #tpu.memory_space<hbm>> -> memref<4096x64xf32, #tpu.memory_space<hbm>>
    tpu.wait_indirect_dma semaphore(%arg13 : memref<!tpu.dma_semaphore, #tpu.memory_space<semaphore_mem>>) src(%dma_wait3A_178 : memref<4096x64xf32, #tpu.memory_space<hbm>>) dst(%dma_wait3A_172 : memref<128x64xf32, #tpu.memory_space<vmem>>)
    %add3A_179 = arith.constant 256 : i32
    %add3A_180 = arith.addi %mul3A_45, %add3A_179 : i32
    %dma_start3A_181 = arith.constant 256 : i32
    %dma_start3A_182 = arith.constant 0 : i32
    %dma_start3A_183 = tpu.memref_slice %arg6[%dma_start3A_181, %dma_start3A_182] : memref<512x64xf32, #tpu.memory_space<vmem>> -> memref<128x64xf32, #tpu.memory_space<vmem>>
    %dma_start3A_184 = arith.constant 0 : i32
    %dma_start3A_185 = tpu.memref_slice %arg4[%add3A_180, %dma_start3A_184] : memref<16384x64xf32, #tpu.memory_space<hbm>> -> memref<128x64xf32, #tpu.memory_space<hbm>>
    %dma_start3A_186 = arith.constant 0 : i32
    %dma_start3A_187 = tpu.memref_slice %arg4[%add3A_180, %dma_start3A_186] : memref<16384x64xf32, #tpu.memory_space<hbm>> -> memref<128x64xf32, #tpu.memory_space<hbm>>
    %dma_start3A_188 = arith.constant 256 : i32
    %dma_start3A_189 = arith.constant 0 : i32
    %dma_start3A_190 = tpu.memref_slice %arg6[%dma_start3A_188, %dma_start3A_189] : memref<512x64xf32, #tpu.memory_space<vmem>> -> memref<128x64xf32, #tpu.memory_space<vmem>>
    tpu.enqueue_dma source(%dma_start3A_190 : memref<128x64xf32, #tpu.memory_space<vmem>>) target(%dma_start3A_187 : memref<128x64xf32, #tpu.memory_space<hbm>>) target_semaphore(%arg15 : memref<!tpu.dma_semaphore, #tpu.memory_space<semaphore_mem>>)
    %dma_wait3A_191 = arith.constant 7 : i32
    %dma_wait3A_192 = arith.constant 384 : i32
    %dma_wait3A_193 = arith.constant 0 : i32
    %dma_wait3A_194 = tpu.memref_slice %arg6[%dma_wait3A_192, %dma_wait3A_193] : memref<512x64xf32, #tpu.memory_space<vmem>> -> memref<128x64xf32, #tpu.memory_space<vmem>>
    %dma_wait3A_195 = arith.constant 0 : i32
    %dma_wait3A_196 = tpu.memref_slice %arg5[%dma_wait3A_191, %dma_wait3A_195] : memref<8x128xi32, #tpu.memory_space<vmem>> -> memref<1x128xi32, #tpu.memory_space<vmem>>
    %dma_wait3A_197 = tpu.memref_squeeze %dma_wait3A_196 : memref<1x128xi32, #tpu.memory_space<vmem>> -> memref<128xi32, #tpu.memory_space<vmem>>
    %dma_wait3A_198 = arith.constant 0 : i32
    %dma_wait3A_199 = arith.constant 0 : i32
    %dma_wait3A_200 = tpu.memref_slice %arg2[%dma_wait3A_198, %dma_wait3A_199] : memref<4096x64xf32, #tpu.memory_space<hbm>> -> memref<4096x64xf32, #tpu.memory_space<hbm>>
    tpu.wait_indirect_dma semaphore(%arg14 : memref<!tpu.dma_semaphore, #tpu.memory_space<semaphore_mem>>) src(%dma_wait3A_200 : memref<4096x64xf32, #tpu.memory_space<hbm>>) dst(%dma_wait3A_194 : memref<128x64xf32, #tpu.memory_space<vmem>>)
    %add3A_201 = arith.constant 384 : i32
    %add3A_202 = arith.addi %mul3A_45, %add3A_201 : i32
    %dma_start3A_203 = arith.constant 384 : i32
    %dma_start3A_204 = arith.constant 0 : i32
    %dma_start3A_205 = tpu.memref_slice %arg6[%dma_start3A_203, %dma_start3A_204] : memref<512x64xf32, #tpu.memory_space<vmem>> -> memref<128x64xf32, #tpu.memory_space<vmem>>
    %dma_start3A_206 = arith.constant 0 : i32
    %dma_start3A_207 = tpu.memref_slice %arg4[%add3A_202, %dma_start3A_206] : memref<16384x64xf32, #tpu.memory_space<hbm>> -> memref<128x64xf32, #tpu.memory_space<hbm>>
    %dma_start3A_208 = arith.constant 0 : i32
    %dma_start3A_209 = tpu.memref_slice %arg4[%add3A_202, %dma_start3A_208] : memref<16384x64xf32, #tpu.memory_space<hbm>> -> memref<128x64xf32, #tpu.memory_space<hbm>>
    %dma_start3A_210 = arith.constant 384 : i32
    %dma_start3A_211 = arith.constant 0 : i32
    %dma_start3A_212 = tpu.memref_slice %arg6[%dma_start3A_210, %dma_start3A_211] : memref<512x64xf32, #tpu.memory_space<vmem>> -> memref<128x64xf32, #tpu.memory_space<vmem>>
    tpu.enqueue_dma source(%dma_start3A_212 : memref<128x64xf32, #tpu.memory_space<vmem>>) target(%dma_start3A_209 : memref<128x64xf32, #tpu.memory_space<hbm>>) target_semaphore(%arg15 : memref<!tpu.dma_semaphore, #tpu.memory_space<semaphore_mem>>)
    %dma_wait3A_213 = arith.constant 0 : i32
    %dma_wait3A_214 = arith.constant 0 : i32
    %dma_wait3A_215 = tpu.memref_slice %arg6[%dma_wait3A_213, %dma_wait3A_214] : memref<512x64xf32, #tpu.memory_space<vmem>> -> memref<128x64xf32, #tpu.memory_space<vmem>>
    %dma_wait3A_216 = arith.constant 0 : i32
    %dma_wait3A_217 = tpu.memref_slice %arg4[%add3A_136, %dma_wait3A_216] : memref<16384x64xf32, #tpu.memory_space<hbm>> -> memref<128x64xf32, #tpu.memory_space<hbm>>
    %dma_wait3A_218 = arith.constant 0 : i32
    %dma_wait3A_219 = tpu.memref_slice %arg4[%add3A_136, %dma_wait3A_218] : memref<16384x64xf32, #tpu.memory_space<hbm>> -> memref<128x64xf32, #tpu.memory_space<hbm>>
    %dma_wait3A_220 = arith.constant 0 : i32
    %dma_wait3A_221 = arith.constant 0 : i32
    %dma_wait3A_222 = tpu.memref_slice %arg6[%dma_wait3A_220, %dma_wait3A_221] : memref<512x64xf32, #tpu.memory_space<vmem>> -> memref<128x64xf32, #tpu.memory_space<vmem>>
    tpu.wait_dma2 semaphore(%arg15 : memref<!tpu.dma_semaphore, #tpu.memory_space<semaphore_mem>>) src(%dma_wait3A_222 : memref<128x64xf32, #tpu.memory_space<vmem>>) dst(%dma_wait3A_219 : memref<128x64xf32, #tpu.memory_space<hbm>>)
    %dma_wait3A_223 = arith.constant 128 : i32
    %dma_wait3A_224 = arith.constant 0 : i32
    %dma_wait3A_225 = tpu.memref_slice %arg6[%dma_wait3A_223, %dma_wait3A_224] : memref<512x64xf32, #tpu.memory_space<vmem>> -> memref<128x64xf32, #tpu.memory_space<vmem>>
    %dma_wait3A_226 = arith.constant 0 : i32
    %dma_wait3A_227 = tpu.memref_slice %arg4[%add3A_158, %dma_wait3A_226] : memref<16384x64xf32, #tpu.memory_space<hbm>> -> memref<128x64xf32, #tpu.memory_space<hbm>>
    %dma_wait3A_228 = arith.constant 0 : i32
    %dma_wait3A_229 = tpu.memref_slice %arg4[%add3A_158, %dma_wait3A_228] : memref<16384x64xf32, #tpu.memory_space<hbm>> -> memref<128x64xf32, #tpu.memory_space<hbm>>
    %dma_wait3A_230 = arith.constant 128 : i32
    %dma_wait3A_231 = arith.constant 0 : i32
    %dma_wait3A_232 = tpu.memref_slice %arg6[%dma_wait3A_230, %dma_wait3A_231] : memref<512x64xf32, #tpu.memory_space<vmem>> -> memref<128x64xf32, #tpu.memory_space<vmem>>
    tpu.wait_dma2 semaphore(%arg15 : memref<!tpu.dma_semaphore, #tpu.memory_space<semaphore_mem>>) src(%dma_wait3A_232 : memref<128x64xf32, #tpu.memory_space<vmem>>) dst(%dma_wait3A_229 : memref<128x64xf32, #tpu.memory_space<hbm>>)
    %dma_wait3A_233 = arith.constant 256 : i32
    %dma_wait3A_234 = arith.constant 0 : i32
    %dma_wait3A_235 = tpu.memref_slice %arg6[%dma_wait3A_233, %dma_wait3A_234] : memref<512x64xf32, #tpu.memory_space<vmem>> -> memref<128x64xf32, #tpu.memory_space<vmem>>
    %dma_wait3A_236 = arith.constant 0 : i32
    %dma_wait3A_237 = tpu.memref_slice %arg4[%add3A_180, %dma_wait3A_236] : memref<16384x64xf32, #tpu.memory_space<hbm>> -> memref<128x64xf32, #tpu.memory_space<hbm>>
    %dma_wait3A_238 = arith.constant 0 : i32
    %dma_wait3A_239 = tpu.memref_slice %arg4[%add3A_180, %dma_wait3A_238] : memref<16384x64xf32, #tpu.memory_space<hbm>> -> memref<128x64xf32, #tpu.memory_space<hbm>>
    %dma_wait3A_240 = arith.constant 256 : i32
    %dma_wait3A_241 = arith.constant 0 : i32
    %dma_wait3A_242 = tpu.memref_slice %arg6[%dma_wait3A_240, %dma_wait3A_241] : memref<512x64xf32, #tpu.memory_space<vmem>> -> memref<128x64xf32, #tpu.memory_space<vmem>>
    tpu.wait_dma2 semaphore(%arg15 : memref<!tpu.dma_semaphore, #tpu.memory_space<semaphore_mem>>) src(%dma_wait3A_242 : memref<128x64xf32, #tpu.memory_space<vmem>>) dst(%dma_wait3A_239 : memref<128x64xf32, #tpu.memory_space<hbm>>)
    %dma_wait3A_243 = arith.constant 384 : i32
    %dma_wait3A_244 = arith.constant 0 : i32
    %dma_wait3A_245 = tpu.memref_slice %arg6[%dma_wait3A_243, %dma_wait3A_244] : memref<512x64xf32, #tpu.memory_space<vmem>> -> memref<128x64xf32, #tpu.memory_space<vmem>>
    %dma_wait3A_246 = arith.constant 0 : i32
    %dma_wait3A_247 = tpu.memref_slice %arg4[%add3A_202, %dma_wait3A_246] : memref<16384x64xf32, #tpu.memory_space<hbm>> -> memref<128x64xf32, #tpu.memory_space<hbm>>
    %dma_wait3A_248 = arith.constant 0 : i32
    %dma_wait3A_249 = tpu.memref_slice %arg4[%add3A_202, %dma_wait3A_248] : memref<16384x64xf32, #tpu.memory_space<hbm>> -> memref<128x64xf32, #tpu.memory_space<hbm>>
    %dma_wait3A_250 = arith.constant 384 : i32
    %dma_wait3A_251 = arith.constant 0 : i32
    %dma_wait3A_252 = tpu.memref_slice %arg6[%dma_wait3A_250, %dma_wait3A_251] : memref<512x64xf32, #tpu.memory_space<vmem>> -> memref<128x64xf32, #tpu.memory_space<vmem>>
    tpu.wait_dma2 semaphore(%arg15 : memref<!tpu.dma_semaphore, #tpu.memory_space<semaphore_mem>>) src(%dma_wait3A_252 : memref<128x64xf32, #tpu.memory_space<vmem>>) dst(%dma_wait3A_249 : memref<128x64xf32, #tpu.memory_space<hbm>>)
    return
  }
}

module attributes {stable_mosaic.version = 14 : i64} {
  func.func @_prep_body(%arg0: memref<256x128xf32, #tpu.memory_space<vmem>>, %arg1: memref<2048x128xf32, #tpu.memory_space<vmem>>, %arg2: memref<256x128xi32, #tpu.memory_space<vmem>>) attributes {dimension_semantics = [], scalar_prefetch = 0 : i64, scratch_operands = 0 : i64, tpu.core_type = #tpu.core_type<tc>} {
    %get3A = arith.constant 0 : index
    %get3A_0 = arith.constant 0 : index
    %get3A_1 = vector.load %arg0[%get3A, %get3A_0] : memref<256x128xf32, #tpu.memory_space<vmem>>, vector<256x128xf32>
    %reduce_max3A = vector.shape_cast %get3A_1 : vector<256x128xf32> to vector<1x256x128xf32>
    %reduce_max3A_2 = arith.constant dense<0xFF800000> : vector<1xf32>
    %reduce_max3A_3 = vector.multi_reduction <maximumf>, %reduce_max3A, %reduce_max3A_2 [1, 2] : vector<1x256x128xf32> to vector<1xf32>
    %reduce_max3A_4 = vector.shape_cast %reduce_max3A_3 : vector<1xf32> to vector<1x1x1xf32>
    %reduce_max3A_5 = vector.extract %reduce_max3A_4[0, 0, 0] : f32 from vector<1x1x1xf32>
    %floor3A = math.floor %reduce_max3A_5 : f32
    %add3A = arith.constant 1.000000e+00 : f32
    %add3A_6 = arith.addf %floor3A, %add3A : f32
    %div3A = vector.broadcast %add3A_6 : f32 to vector<256x128xf32>
    %div3A_7 = arith.divf %get3A_1, %div3A : vector<256x128xf32>
    %sub3A = arith.constant 1.000000e+00 : f32
    %sub3A_8 = arith.subf %add3A_6, %sub3A : f32
    %mul3A = vector.broadcast %sub3A_8 : f32 to vector<256x128xf32>
    %mul3A_9 = arith.mulf %div3A_7, %mul3A : vector<256x128xf32>
    %convert_element_type3A = arith.fptosi %mul3A_9 : vector<256x128xf32> to vector<256x128xi32>
    %swap3A = arith.constant 0 : index
    %swap3A_10 = arith.constant 0 : index
    %swap3A_11 = vector.load %arg2[%swap3A, %swap3A_10] : memref<256x128xi32, #tpu.memory_space<vmem>>, vector<256x128xi32>
    tpu.vector_store %arg2[%swap3A, %swap3A_10], %convert_element_type3A {strides = array<i32>} : memref<256x128xi32, #tpu.memory_space<vmem>>, vector<256x128xi32>,
    %iota3A = tpu.iota {dimensions = array<i32: 1>} : vector<2048x128xi32>
    %iota3A_12 = tpu.iota {dimensions = array<i32: 0>} : vector<2048x128xi32>
    %mul3A_13 = arith.constant 2 : i32
    %mul3A_14 = vector.broadcast %mul3A_13 : i32 to vector<2048x128xi32>
    %mul3A_15 = arith.muli %mul3A_14, %iota3A_12 : vector<2048x128xi32>
    %jit3A = arith.constant 64 : i32
    %div3A_16 = vector.broadcast %jit3A : i32 to vector<2048x128xi32>
    %div3A_17 = arith.divsi %iota3A, %div3A_16 : vector<2048x128xi32>
    %sign3A = arith.constant 0 : i32
    %sign3A_18 = vector.broadcast %sign3A : i32 to vector<2048x128xi32>
    %sign3A_19 = arith.cmpi sgt, %iota3A, %sign3A_18 : vector<2048x128xi32>
    %sign3A_20 = arith.extui %sign3A_19 : vector<2048x128xi1> to vector<2048x128xi32>
    %sign3A_21 = arith.constant 0 : i32
    %sign3A_22 = vector.broadcast %sign3A_21 : i32 to vector<2048x128xi32>
    %sign3A_23 = arith.cmpi slt, %iota3A, %sign3A_22 : vector<2048x128xi32>
    %sign3A_24 = arith.extui %sign3A_23 : vector<2048x128xi1> to vector<2048x128xi32>
    %sign3A_25 = arith.subi %sign3A_20, %sign3A_24 : vector<2048x128xi32>
    %sign3A_26 = arith.constant 0 : i32
    %sign3A_27 = arith.cmpi sgt, %jit3A, %sign3A_26 : i32
    %sign3A_28 = arith.extui %sign3A_27 : i1 to i32
    %sign3A_29 = arith.constant 0 : i32
    %sign3A_30 = arith.cmpi slt, %jit3A, %sign3A_29 : i32
    %sign3A_31 = arith.extui %sign3A_30 : i1 to i32
    %sign3A_32 = arith.subi %sign3A_28, %sign3A_31 : i32
    %ne3A = vector.broadcast %sign3A_32 : i32 to vector<2048x128xi32>
    %ne3A_33 = arith.cmpi ne, %sign3A_25, %ne3A : vector<2048x128xi32>
    %rem3A = vector.broadcast %jit3A : i32 to vector<2048x128xi32>
    %rem3A_34 = arith.remsi %iota3A, %rem3A : vector<2048x128xi32>
    %ne3A_35 = arith.constant 0 : i32
    %ne3A_36 = vector.broadcast %ne3A_35 : i32 to vector<2048x128xi32>
    %ne3A_37 = arith.cmpi ne, %rem3A_34, %ne3A_36 : vector<2048x128xi32>
    %and3A = arith.andi %ne3A_33, %ne3A_37 : vector<2048x128xi1>
    %sub3A_38 = arith.constant 1 : i32
    %sub3A_39 = vector.broadcast %sub3A_38 : i32 to vector<2048x128xi32>
    %sub3A_40 = arith.subi %div3A_17, %sub3A_39 : vector<2048x128xi32>
    %select_n3A = arith.select %and3A, %sub3A_40, %div3A_17 : vector<2048x128xi1>, vector<2048x128xi32>
    %add3A_41 = arith.addi %mul3A_15, %select_n3A : vector<2048x128xi32>
    %convert_element_type3A_42 = arith.sitofp %add3A_41 : vector<2048x128xi32> to vector<2048x128xf32>
    %jit3A_43 = arith.constant 64 : i32
    %eq3A = arith.constant 0 : i32
    %eq3A_44 = arith.cmpi eq, %jit3A_43, %eq3A : i32
    %jit3A_45 = arith.constant 1 : i32
    %select_n3A_46 = arith.select %eq3A_44, %jit3A_45, %jit3A_43 : i32
    %rem3A_47 = vector.broadcast %select_n3A_46 : i32 to vector<2048x128xi32>
    %rem3A_48 = arith.remsi %iota3A, %rem3A_47 : vector<2048x128xi32>
    %ne3A_49 = arith.constant 0 : i32
    %ne3A_50 = vector.broadcast %ne3A_49 : i32 to vector<2048x128xi32>
    %ne3A_51 = arith.cmpi ne, %rem3A_48, %ne3A_50 : vector<2048x128xi32>
    %lt3A = arith.constant 0 : i32
    %lt3A_52 = vector.broadcast %lt3A : i32 to vector<2048x128xi32>
    %lt3A_53 = arith.cmpi slt, %rem3A_48, %lt3A_52 : vector<2048x128xi32>
    %lt3A_54 = arith.constant 0 : i32
    %lt3A_55 = arith.cmpi slt, %select_n3A_46, %lt3A_54 : i32
    %ne3A_56 = vector.broadcast %lt3A_55 : i1 to vector<2048x128xi1>
    %ne3A_57 = vector.broadcast %ne3A_56 : vector<2048x128xi1> to vector<2048x128xi1>
    %ne3A_58 = arith.xori %lt3A_53, %ne3A_57 : vector<2048x128xi1>
    %and3A_59 = arith.andi %ne3A_58, %ne3A_51 : vector<2048x128xi1>
    %add3A_60 = vector.broadcast %select_n3A_46 : i32 to vector<2048x128xi32>
    %add3A_61 = arith.addi %rem3A_48, %add3A_60 : vector<2048x128xi32>
    %select_n3A_62 = arith.select %and3A_59, %add3A_61, %rem3A_48 : vector<2048x128xi1>, vector<2048x128xi32>
    %and3A_63 = arith.constant -2 : i32
    %and3A_64 = vector.broadcast %and3A_63 : i32 to vector<2048x128xi32>
    %and3A_65 = arith.andi %select_n3A_62, %and3A_64 : vector<2048x128xi32>
    %convert_element_type3A_66 = arith.sitofp %and3A_65 : vector<2048x128xi32> to vector<2048x128xf32>
    %log3A = math.log %add3A_6 : f32
    %neg3A = arith.constant 0.000000e+00 : f32
    %neg3A_67 = arith.subf %neg3A, %log3A : f32
    %div3A_68 = arith.constant 6.400000e+01 : f32
    %div3A_69 = arith.divf %neg3A_67, %div3A_68 : f32
    %mul3A_70 = vector.broadcast %div3A_69 : f32 to vector<2048x128xf32>
    %mul3A_71 = arith.mulf %convert_element_type3A_66, %mul3A_70 : vector<2048x128xf32>
    %exp3A = math.exp %mul3A_71 : vector<2048x128xf32>
    %mul3A_72 = arith.mulf %convert_element_type3A_42, %exp3A : vector<2048x128xf32>
    %and3A_73 = arith.constant 1 : i32
    %and3A_74 = vector.broadcast %and3A_73 : i32 to vector<2048x128xi32>
    %and3A_75 = arith.andi %select_n3A_62, %and3A_74 : vector<2048x128xi32>
    %eq3A_76 = arith.constant 0 : i32
    %eq3A_77 = vector.broadcast %eq3A_76 : i32 to vector<2048x128xi32>
    %eq3A_78 = arith.cmpi eq, %and3A_75, %eq3A_77 : vector<2048x128xi32>
    %jit3A_79 = arith.constant 0.000000e+00 : f32
    %jit3A_80 = arith.constant 1.57079637 : f32
    %broadcast_in_dim3A = vector.broadcast %jit3A_79 : f32 to vector<2048x128xf32>
    %broadcast_in_dim3A_81 = vector.broadcast %jit3A_80 : f32 to vector<2048x128xf32>
    %select_n3A_82 = arith.select %eq3A_78, %broadcast_in_dim3A, %broadcast_in_dim3A_81 : vector<2048x128xi1>, vector<2048x128xf32>
    %add3A_83 = arith.addf %mul3A_72, %select_n3A_82 : vector<2048x128xf32>
    %sin3A = math.sin %add3A_83 : vector<2048x128xf32>
    %swap3A_84 = arith.constant 0 : index
    %swap3A_85 = arith.constant 0 : index
    %swap3A_86 = vector.load %arg1[%swap3A_84, %swap3A_85] : memref<2048x128xf32, #tpu.memory_space<vmem>>, vector<2048x128xf32>
    tpu.vector_store %arg1[%swap3A_84, %swap3A_85], %sin3A {strides = array<i32>} : memref<2048x128xf32, #tpu.memory_space<vmem>>, vector<2048x128xf32>,
    return
  }
}

module attributes {stable_mosaic.version = 14 : i64} {
  func.func @_finish_body(%arg0: i32, %arg1: memref<4096x128xf32, #tpu.memory_space<vmem>>, %arg2: memref<64x8192xf32, #tpu.memory_space<vmem>>, %arg3: memref<512x1024xf32, #tpu.memory_space<vmem>>) attributes {dimension_semantics = [#tpu.dimension_semantics<arbitrary>], iteration_bounds = array<i64: 2>, scalar_prefetch = 0 : i64, scratch_operands = 1 : i64, tpu.core_type = #tpu.core_type<tc>, window_params = [{transform_indices = @transform_0, window_bounds = array<i64: 4096, 128>}, {transform_indices = @transform_1, window_bounds = array<i64: 64, 8192>}]} {
    %eq3A = arith.constant 0 : i32
    %eq3A_0 = arith.cmpi eq, %arg0, %eq3A : i32
    %convert_element_type3A = arith.extui %eq3A_0 : i1 to i32
    %cond3A = arith.constant 0 : i32
    %cond3A_1 = arith.cmpi ne, %convert_element_type3A, %cond3A : i32
    scf.if %cond3A_1 {
      %iota3A = tpu.iota {dimensions = array<i32: 0>} : vector<512x1024xi32>
      %iota3A_111 = tpu.iota {dimensions = array<i32: 1>} : vector<512x1024xi32>
      %mul3A = arith.constant 2 : i32
      %mul3A_112 = vector.broadcast %mul3A : i32 to vector<512x1024xi32>
      %mul3A_113 = arith.muli %mul3A_112, %iota3A : vector<512x1024xi32>
      %eq3A_114 = arith.cmpi eq, %iota3A_111, %mul3A_113 : vector<512x1024xi32>
      %convert_element_type3A_115 = arith.extui %eq3A_114 : vector<512x1024xi1> to vector<512x1024xi32>
      %convert_element_type3A_116 = arith.sitofp %convert_element_type3A_115 : vector<512x1024xi32> to vector<512x1024xf32>
      %swap3A_117 = arith.constant 0 : index
      %swap3A_118 = arith.constant 0 : index
      %swap3A_119 = vector.load %arg3[%swap3A_117, %swap3A_118] : memref<512x1024xf32, #tpu.memory_space<vmem>>, vector<512x1024xf32>
      tpu.vector_store %arg3[%swap3A_117, %swap3A_118], %convert_element_type3A_116 {strides = array<i32>} : memref<512x1024xf32, #tpu.memory_space<vmem>>, vector<512x1024xf32>,
    } else {
    }
    %get3A = arith.constant 0 : index
    %get3A_2 = arith.constant 0 : index
    %get3A_3 = vector.load %arg3[%get3A, %get3A_2] : memref<512x1024xf32, #tpu.memory_space<vmem>>, vector<512x1024xf32>
    %get3A_4 = arith.constant 0 : index
    %get3A_5 = arith.constant 0 : index
    %get3A_6 = vector.load %arg1[%get3A_4, %get3A_5] : memref<4096x128xf32, #tpu.memory_space<vmem>>, vector<512x128xf32>
    %dot_general3A = arith.constant dense<0.000000e+00> : vector<128x1024xf32>
    %dot_general3A_7 = tpu.matmul %get3A_6, %get3A_3, %dot_general3A {dimension_numbers = #tpu.dot_dimension_numbers<[0], [0], [1], [1], [0, 1, 1, 1], [], []>, transpose_lhs_hint = false} : vector<512x128xf32>, vector<512x1024xf32>, vector<128x1024xf32> -> vector<128x1024xf32>
    %slice3A = vector.extract_strided_slice %dot_general3A_7 {offsets = [64, 0], sizes = [64, 1024], strides = [1, 1]} : vector<128x1024xf32> to vector<64x1024xf32>
    %slice3A_8 = vector.extract_strided_slice %slice3A {offsets = [0, 1023], sizes = [64, 1], strides = [1, 1]} : vector<64x1024xf32> to vector<64x1xf32>
    %slice3A_9 = vector.extract_strided_slice %slice3A {offsets = [0, 0], sizes = [64, 1023], strides = [1, 1]} : vector<64x1024xf32> to vector<64x1023xf32>
    %concatenate3A = tpu.concatenate %slice3A_8, %slice3A_9 in 1 : vector<64x1xf32>, vector<64x1023xf32> -> vector<64x1024xf32>
    %slice3A_10 = vector.extract_strided_slice %dot_general3A_7 {offsets = [0, 0], sizes = [64, 1024], strides = [1, 1]} : vector<128x1024xf32> to vector<64x1024xf32>
    %add3A = arith.addf %slice3A_10, %concatenate3A : vector<64x1024xf32>
    %swap3A = arith.constant 0 : index
    %swap3A_11 = arith.constant 0 : index
    %swap3A_12 = vector.load %arg2[%swap3A, %swap3A_11] : memref<64x8192xf32, #tpu.memory_space<vmem>>, vector<64x1024xf32>
    tpu.vector_store %arg2[%swap3A, %swap3A_11], %add3A {strides = array<i32>} : memref<64x8192xf32, #tpu.memory_space<vmem>>, vector<64x1024xf32>,
    %get3A_13 = arith.constant 512 : index
    %get3A_14 = arith.constant 0 : index
    %get3A_15 = vector.load %arg1[%get3A_13, %get3A_14] : memref<4096x128xf32, #tpu.memory_space<vmem>>, vector<512x128xf32>
    %dot_general3A_16 = arith.constant dense<0.000000e+00> : vector<128x1024xf32>
    %dot_general3A_17 = tpu.matmul %get3A_15, %get3A_3, %dot_general3A_16 {dimension_numbers = #tpu.dot_dimension_numbers<[0], [0], [1], [1], [0, 1, 1, 1], [], []>, transpose_lhs_hint = false} : vector<512x128xf32>, vector<512x1024xf32>, vector<128x1024xf32> -> vector<128x1024xf32>
    %slice3A_18 = vector.extract_strided_slice %dot_general3A_17 {offsets = [64, 0], sizes = [64, 1024], strides = [1, 1]} : vector<128x1024xf32> to vector<64x1024xf32>
    %slice3A_19 = vector.extract_strided_slice %slice3A_18 {offsets = [0, 1023], sizes = [64, 1], strides = [1, 1]} : vector<64x1024xf32> to vector<64x1xf32>
    %slice3A_20 = vector.extract_strided_slice %slice3A_18 {offsets = [0, 0], sizes = [64, 1023], strides = [1, 1]} : vector<64x1024xf32> to vector<64x1023xf32>
    %concatenate3A_21 = tpu.concatenate %slice3A_19, %slice3A_20 in 1 : vector<64x1xf32>, vector<64x1023xf32> -> vector<64x1024xf32>
    %slice3A_22 = vector.extract_strided_slice %dot_general3A_17 {offsets = [0, 0], sizes = [64, 1024], strides = [1, 1]} : vector<128x1024xf32> to vector<64x1024xf32>
    %add3A_23 = arith.addf %slice3A_22, %concatenate3A_21 : vector<64x1024xf32>
    %swap3A_24 = arith.constant 0 : index
    %swap3A_25 = arith.constant 1024 : index
    %swap3A_26 = vector.load %arg2[%swap3A_24, %swap3A_25] : memref<64x8192xf32, #tpu.memory_space<vmem>>, vector<64x1024xf32>
    tpu.vector_store %arg2[%swap3A_24, %swap3A_25], %add3A_23 {strides = array<i32>} : memref<64x8192xf32, #tpu.memory_space<vmem>>, vector<64x1024xf32>,
    %get3A_27 = arith.constant 1024 : index
    %get3A_28 = arith.constant 0 : index
    %get3A_29 = vector.load %arg1[%get3A_27, %get3A_28] : memref<4096x128xf32, #tpu.memory_space<vmem>>, vector<512x128xf32>
    %dot_general3A_30 = arith.constant dense<0.000000e+00> : vector<128x1024xf32>
    %dot_general3A_31 = tpu.matmul %get3A_29, %get3A_3, %dot_general3A_30 {dimension_numbers = #tpu.dot_dimension_numbers<[0], [0], [1], [1], [0, 1, 1, 1], [], []>, transpose_lhs_hint = false} : vector<512x128xf32>, vector<512x1024xf32>, vector<128x1024xf32> -> vector<128x1024xf32>
    %slice3A_32 = vector.extract_strided_slice %dot_general3A_31 {offsets = [64, 0], sizes = [64, 1024], strides = [1, 1]} : vector<128x1024xf32> to vector<64x1024xf32>
    %slice3A_33 = vector.extract_strided_slice %slice3A_32 {offsets = [0, 1023], sizes = [64, 1], strides = [1, 1]} : vector<64x1024xf32> to vector<64x1xf32>
    %slice3A_34 = vector.extract_strided_slice %slice3A_32 {offsets = [0, 0], sizes = [64, 1023], strides = [1, 1]} : vector<64x1024xf32> to vector<64x1023xf32>
    %concatenate3A_35 = tpu.concatenate %slice3A_33, %slice3A_34 in 1 : vector<64x1xf32>, vector<64x1023xf32> -> vector<64x1024xf32>
    %slice3A_36 = vector.extract_strided_slice %dot_general3A_31 {offsets = [0, 0], sizes = [64, 1024], strides = [1, 1]} : vector<128x1024xf32> to vector<64x1024xf32>
    %add3A_37 = arith.addf %slice3A_36, %concatenate3A_35 : vector<64x1024xf32>
    %swap3A_38 = arith.constant 0 : index
    %swap3A_39 = arith.constant 2048 : index
    %swap3A_40 = vector.load %arg2[%swap3A_38, %swap3A_39] : memref<64x8192xf32, #tpu.memory_space<vmem>>, vector<64x1024xf32>
    tpu.vector_store %arg2[%swap3A_38, %swap3A_39], %add3A_37 {strides = array<i32>} : memref<64x8192xf32, #tpu.memory_space<vmem>>, vector<64x1024xf32>,
    %get3A_41 = arith.constant 1536 : index
    %get3A_42 = arith.constant 0 : index
    %get3A_43 = vector.load %arg1[%get3A_41, %get3A_42] : memref<4096x128xf32, #tpu.memory_space<vmem>>, vector<512x128xf32>
    %dot_general3A_44 = arith.constant dense<0.000000e+00> : vector<128x1024xf32>
    %dot_general3A_45 = tpu.matmul %get3A_43, %get3A_3, %dot_general3A_44 {dimension_numbers = #tpu.dot_dimension_numbers<[0], [0], [1], [1], [0, 1, 1, 1], [], []>, transpose_lhs_hint = false} : vector<512x128xf32>, vector<512x1024xf32>, vector<128x1024xf32> -> vector<128x1024xf32>
    %slice3A_46 = vector.extract_strided_slice %dot_general3A_45 {offsets = [64, 0], sizes = [64, 1024], strides = [1, 1]} : vector<128x1024xf32> to vector<64x1024xf32>
    %slice3A_47 = vector.extract_strided_slice %slice3A_46 {offsets = [0, 1023], sizes = [64, 1], strides = [1, 1]} : vector<64x1024xf32> to vector<64x1xf32>
    %slice3A_48 = vector.extract_strided_slice %slice3A_46 {offsets = [0, 0], sizes = [64, 1023], strides = [1, 1]} : vector<64x1024xf32> to vector<64x1023xf32>
    %concatenate3A_49 = tpu.concatenate %slice3A_47, %slice3A_48 in 1 : vector<64x1xf32>, vector<64x1023xf32> -> vector<64x1024xf32>
    %slice3A_50 = vector.extract_strided_slice %dot_general3A_45 {offsets = [0, 0], sizes = [64, 1024], strides = [1, 1]} : vector<128x1024xf32> to vector<64x1024xf32>
    %add3A_51 = arith.addf %slice3A_50, %concatenate3A_49 : vector<64x1024xf32>
    %swap3A_52 = arith.constant 0 : index
    %swap3A_53 = arith.constant 3072 : index
    %swap3A_54 = vector.load %arg2[%swap3A_52, %swap3A_53] : memref<64x8192xf32, #tpu.memory_space<vmem>>, vector<64x1024xf32>
    tpu.vector_store %arg2[%swap3A_52, %swap3A_53], %add3A_51 {strides = array<i32>} : memref<64x8192xf32, #tpu.memory_space<vmem>>, vector<64x1024xf32>,
    %get3A_55 = arith.constant 2048 : index
    %get3A_56 = arith.constant 0 : index
    %get3A_57 = vector.load %arg1[%get3A_55, %get3A_56] : memref<4096x128xf32, #tpu.memory_space<vmem>>, vector<512x128xf32>
    %dot_general3A_58 = arith.constant dense<0.000000e+00> : vector<128x1024xf32>
    %dot_general3A_59 = tpu.matmul %get3A_57, %get3A_3, %dot_general3A_58 {dimension_numbers = #tpu.dot_dimension_numbers<[0], [0], [1], [1], [0, 1, 1, 1], [], []>, transpose_lhs_hint = false} : vector<512x128xf32>, vector<512x1024xf32>, vector<128x1024xf32> -> vector<128x1024xf32>
    %slice3A_60 = vector.extract_strided_slice %dot_general3A_59 {offsets = [64, 0], sizes = [64, 1024], strides = [1, 1]} : vector<128x1024xf32> to vector<64x1024xf32>
    %slice3A_61 = vector.extract_strided_slice %slice3A_60 {offsets = [0, 1023], sizes = [64, 1], strides = [1, 1]} : vector<64x1024xf32> to vector<64x1xf32>
    %slice3A_62 = vector.extract_strided_slice %slice3A_60 {offsets = [0, 0], sizes = [64, 1023], strides = [1, 1]} : vector<64x1024xf32> to vector<64x1023xf32>
    %concatenate3A_63 = tpu.concatenate %slice3A_61, %slice3A_62 in 1 : vector<64x1xf32>, vector<64x1023xf32> -> vector<64x1024xf32>
    %slice3A_64 = vector.extract_strided_slice %dot_general3A_59 {offsets = [0, 0], sizes = [64, 1024], strides = [1, 1]} : vector<128x1024xf32> to vector<64x1024xf32>
    %add3A_65 = arith.addf %slice3A_64, %concatenate3A_63 : vector<64x1024xf32>
    %swap3A_66 = arith.constant 0 : index
    %swap3A_67 = arith.constant 4096 : index
    %swap3A_68 = vector.load %arg2[%swap3A_66, %swap3A_67] : memref<64x8192xf32, #tpu.memory_space<vmem>>, vector<64x1024xf32>
    tpu.vector_store %arg2[%swap3A_66, %swap3A_67], %add3A_65 {strides = array<i32>} : memref<64x8192xf32, #tpu.memory_space<vmem>>, vector<64x1024xf32>,
    %get3A_69 = arith.constant 2560 : index
    %get3A_70 = arith.constant 0 : index
    %get3A_71 = vector.load %arg1[%get3A_69, %get3A_70] : memref<4096x128xf32, #tpu.memory_space<vmem>>, vector<512x128xf32>
    %dot_general3A_72 = arith.constant dense<0.000000e+00> : vector<128x1024xf32>
    %dot_general3A_73 = tpu.matmul %get3A_71, %get3A_3, %dot_general3A_72 {dimension_numbers = #tpu.dot_dimension_numbers<[0], [0], [1], [1], [0, 1, 1, 1], [], []>, transpose_lhs_hint = false} : vector<512x128xf32>, vector<512x1024xf32>, vector<128x1024xf32> -> vector<128x1024xf32>
    %slice3A_74 = vector.extract_strided_slice %dot_general3A_73 {offsets = [64, 0], sizes = [64, 1024], strides = [1, 1]} : vector<128x1024xf32> to vector<64x1024xf32>
    %slice3A_75 = vector.extract_strided_slice %slice3A_74 {offsets = [0, 1023], sizes = [64, 1], strides = [1, 1]} : vector<64x1024xf32> to vector<64x1xf32>
    %slice3A_76 = vector.extract_strided_slice %slice3A_74 {offsets = [0, 0], sizes = [64, 1023], strides = [1, 1]} : vector<64x1024xf32> to vector<64x1023xf32>
    %concatenate3A_77 = tpu.concatenate %slice3A_75, %slice3A_76 in 1 : vector<64x1xf32>, vector<64x1023xf32> -> vector<64x1024xf32>
    %slice3A_78 = vector.extract_strided_slice %dot_general3A_73 {offsets = [0, 0], sizes = [64, 1024], strides = [1, 1]} : vector<128x1024xf32> to vector<64x1024xf32>
    %add3A_79 = arith.addf %slice3A_78, %concatenate3A_77 : vector<64x1024xf32>
    %swap3A_80 = arith.constant 0 : index
    %swap3A_81 = arith.constant 5120 : index
    %swap3A_82 = vector.load %arg2[%swap3A_80, %swap3A_81] : memref<64x8192xf32, #tpu.memory_space<vmem>>, vector<64x1024xf32>
    tpu.vector_store %arg2[%swap3A_80, %swap3A_81], %add3A_79 {strides = array<i32>} : memref<64x8192xf32, #tpu.memory_space<vmem>>, vector<64x1024xf32>,
    %get3A_83 = arith.constant 3072 : index
    %get3A_84 = arith.constant 0 : index
    %get3A_85 = vector.load %arg1[%get3A_83, %get3A_84] : memref<4096x128xf32, #tpu.memory_space<vmem>>, vector<512x128xf32>
    %dot_general3A_86 = arith.constant dense<0.000000e+00> : vector<128x1024xf32>
    %dot_general3A_87 = tpu.matmul %get3A_85, %get3A_3, %dot_general3A_86 {dimension_numbers = #tpu.dot_dimension_numbers<[0], [0], [1], [1], [0, 1, 1, 1], [], []>, transpose_lhs_hint = false} : vector<512x128xf32>, vector<512x1024xf32>, vector<128x1024xf32> -> vector<128x1024xf32>
    %slice3A_88 = vector.extract_strided_slice %dot_general3A_87 {offsets = [64, 0], sizes = [64, 1024], strides = [1, 1]} : vector<128x1024xf32> to vector<64x1024xf32>
    %slice3A_89 = vector.extract_strided_slice %slice3A_88 {offsets = [0, 1023], sizes = [64, 1], strides = [1, 1]} : vector<64x1024xf32> to vector<64x1xf32>
    %slice3A_90 = vector.extract_strided_slice %slice3A_88 {offsets = [0, 0], sizes = [64, 1023], strides = [1, 1]} : vector<64x1024xf32> to vector<64x1023xf32>
    %concatenate3A_91 = tpu.concatenate %slice3A_89, %slice3A_90 in 1 : vector<64x1xf32>, vector<64x1023xf32> -> vector<64x1024xf32>
    %slice3A_92 = vector.extract_strided_slice %dot_general3A_87 {offsets = [0, 0], sizes = [64, 1024], strides = [1, 1]} : vector<128x1024xf32> to vector<64x1024xf32>
    %add3A_93 = arith.addf %slice3A_92, %concatenate3A_91 : vector<64x1024xf32>
    %swap3A_94 = arith.constant 0 : index
    %swap3A_95 = arith.constant 6144 : index
    %swap3A_96 = vector.load %arg2[%swap3A_94, %swap3A_95] : memref<64x8192xf32, #tpu.memory_space<vmem>>, vector<64x1024xf32>
    tpu.vector_store %arg2[%swap3A_94, %swap3A_95], %add3A_93 {strides = array<i32>} : memref<64x8192xf32, #tpu.memory_space<vmem>>, vector<64x1024xf32>,
    %get3A_97 = arith.constant 3584 : index
    %get3A_98 = arith.constant 0 : index
    %get3A_99 = vector.load %arg1[%get3A_97, %get3A_98] : memref<4096x128xf32, #tpu.memory_space<vmem>>, vector<512x128xf32>
    %dot_general3A_100 = arith.constant dense<0.000000e+00> : vector<128x1024xf32>
    %dot_general3A_101 = tpu.matmul %get3A_99, %get3A_3, %dot_general3A_100 {dimension_numbers = #tpu.dot_dimension_numbers<[0], [0], [1], [1], [0, 1, 1, 1], [], []>, transpose_lhs_hint = false} : vector<512x128xf32>, vector<512x1024xf32>, vector<128x1024xf32> -> vector<128x1024xf32>
    %slice3A_102 = vector.extract_strided_slice %dot_general3A_101 {offsets = [64, 0], sizes = [64, 1024], strides = [1, 1]} : vector<128x1024xf32> to vector<64x1024xf32>
    %slice3A_103 = vector.extract_strided_slice %slice3A_102 {offsets = [0, 1023], sizes = [64, 1], strides = [1, 1]} : vector<64x1024xf32> to vector<64x1xf32>
    %slice3A_104 = vector.extract_strided_slice %slice3A_102 {offsets = [0, 0], sizes = [64, 1023], strides = [1, 1]} : vector<64x1024xf32> to vector<64x1023xf32>
    %concatenate3A_105 = tpu.concatenate %slice3A_103, %slice3A_104 in 1 : vector<64x1xf32>, vector<64x1023xf32> -> vector<64x1024xf32>
    %slice3A_106 = vector.extract_strided_slice %dot_general3A_101 {offsets = [0, 0], sizes = [64, 1024], strides = [1, 1]} : vector<128x1024xf32> to vector<64x1024xf32>
    %add3A_107 = arith.addf %slice3A_106, %concatenate3A_105 : vector<64x1024xf32>
    %swap3A_108 = arith.constant 0 : index
    %swap3A_109 = arith.constant 7168 : index
    %swap3A_110 = vector.load %arg2[%swap3A_108, %swap3A_109] : memref<64x8192xf32, #tpu.memory_space<vmem>>, vector<64x1024xf32>
    tpu.vector_store %arg2[%swap3A_108, %swap3A_109], %add3A_107 {strides = array<i32>} : memref<64x8192xf32, #tpu.memory_space<vmem>>, vector<64x1024xf32>,
    return
  }
  func.func @transform_0(%arg0: i32) -> (i32, i32) {
    %c0_i32 = arith.constant 0 : i32
    %c0_i32_0 = arith.constant 0 : i32
    return %arg0, %c0_i32 : i32, i32
  }
  func.func @transform_1(%arg0: i32) -> (i32, i32) {
    %c0_i32 = arith.constant 0 : i32
    %c0_i32_0 = arith.constant 0 : i32
    return %c0_i32, %arg0 : i32, i32
  }
}

</mosaic_0001>

<sc_bundles>
// kernel: kernel.5.cloned.1.call-start
scs
__scs_entry_jumppad:
0x0: {  	(pc) =	sbr.rel $0x88, $3  }
0x1: {  	(tag) =	ssettag $0x0;
	lr =	simm.s32 $0x1  }
0x2: {  	[smem:$0x3FA0] =	sst lr;
	_ =	strace $0xD0000000  }
0x3: {  	_ = 	snop  }
0x4: {  	_ = 	snop  }
0x5: {  	_ = 	snop  }
0x6: {  	_ = 	snop  }
0x7: {  	_ = 	snop  }
__scs_overlays_trampoline_lowered:
0x8: {  	[smem:$0x3FAF] =	sst s0  }
0x9: {  	[smem:$0x3FB0] =	sst s1  }
0xa: {  	[smem:$0x3FB1] =	sst s2  }
0xb: {  	[smem:$0x3FB2] =	sst s3  }
0xc: {  	[smem:$0x3FB3] =	sst s4  }
0xd: {  	[smem:$0x3FB4] =	sst s5  }
0xe: {  	[smem:$0x3FB5] =	sst s6  }
0xf: {  	[smem:$0x3FB6] =	sst s7  }
0x10: {  	[smem:$0x3FB7] =	sst s8  }
0x11: {  	[smem:$0x3FB8] =	sst s9;
	s0 =	simm.s32 @!p0 $0x0  }
0x12: {  	s1 =	sld [smem:$0x3F9E];
	s0 =	simm.s32 @p0 $0x1  }
0x13: {  	[smem:$0x3FB9] =	sst s0;
	s0 =	simm.s32 @!p1 $0x0  }
0x14: {  	s2 =	sld [smem:$0x3F9D];
	s0 =	simm.s32 @p1 $0x1  }
0x15: {  	[smem:$0x3FBA] =	sst s0;
	s0 =	simm.s32 @!p2 $0x0  }
0x16: {  	s3 =	sld [smem:$0x3FDB];
	s0 =	simm.s32 @p2 $0x1  }
0x17: {  	s4 =	simm.s32 $0x1BF5;
	[smem:$0x3FBC] =	sst s0  }
0x18: {  	s0 =	sld [smem:$0x3F9F];
	_ =	swait.ge [sflag:s4], $0x0  }
0x19: {  	s7 =	sld [smem:$0x3FA0]  }
0x1a: {  	s8 =	sadd.s32 $0xFFFFE003, lr  }
0x1b: {  	s9 =	sadd.s32 $0xFFFFFEF7, lr;
	s5 =	simm.s32 $0xFFFFFFFF;
	p2 =	slt.u32 s8, $0xFFFFF086  }
0x1c: {  	p1 =	slt.u32 s9, $0xF7A;
	s5 =	simm.s32 @!p2 $0x0  }
0x1d: {  	s5 =	simm.s32 @p1 $0x1;
	p0 =	seq.s32 s7, s2  }
0x1e: {  	s7 =	smul.u32 @!p0 $0xF7A, s2;
	p2 =	seq.s32 @!p0 s5, $0x0  }
0x1f: {  	s9 =	smul.u32 $0xF7A, s1;
	s8 =	simm.s32 @!p0 $0x1BF5;
	p2 =	por !p2, p0  }
0x20: {  	[sflag:s8] =	ssyncset.s32 @!p0 $0xFFFFF086;
	s6 =	sadd.s32 @!p0 s3, s7;
	s7 =	simm.s32 @!p0 $0x108  }
0x21: {  	s3 =	sadd.s32 s3, s9;
	s6 =	sadd.s32 @!p0 $0x88, s6;
	s7 =	simm.s32 @p2 $0x1082  }
0x22: {  	[simem:s7], [sflag:s8] =	dma.local @!p0 [hbm:s6], $0xF7A  }
0x23: {  	s9 =	sor.u32 $0xD0000000, s2;
	s6 =	simm.s32 $0x108;
	_ =	swait.ge @!p0 [sflag:s8], $0x0  }
0x24: {  	s3 =	sadd.s32 $0x88, s3;
	s6 =	simm.s32 @!p1 $0x1082;
	[sflag:s4] =	ssyncset.s32 $0xFFFFF086  }
0x25: {  	[simem:s6], [sflag:s4] =	dma.local [hbm:s3], $0xF7A  }
0x26: {  	[smem:$0x3FA0] =	sst s1;
	(tag) =	ssettag s2;
	_ =	strace s9  }
0x27: {  	s1 =	sld [smem:$0x3FB0]  }
0x28: {  	s2 =	sld [smem:$0x3FB1]  }
0x29: {  	s4 =	sld [smem:$0x3FB3]  }
0x2a: {  	p0 =	seq.s32 s5, $0x0;
	s5 =	sld [smem:$0x3FB4]  }
0x2b: {  	s6 =	sld [smem:$0x3FB5]  }
0x2c: {  	s7 =	sld [smem:$0x3FB6]  }
0x2d: {  	s3 =	simm.s32 $0x108;
	s8 =	sld [smem:$0x3FB7]  }
0x2e: {  	s3 =	simm.s32 @!p0 $0x1082;
	s9 =	sld [smem:$0x3FB8]  }
0x2f: {  	lr =	sadd.s32 s0, s3;
	s0 =	sld [smem:$0x3FAF]  }
0x30: {  	s3 =	sld [smem:$0x3FB2]  }
0x31: {  	[smem:$0x3FBB] =	sst s10  }
0x32: {  	s10 =	sld [smem:$0x3FB9];
	_ =	sdelay $0x3  }
0x33: {  	p0 =	seq.s32 s10, $0x1;
	s10 =	sld [smem:$0x3FBB];
	_ =	sdelay $0x3  }
0x34: {  	[smem:$0x3FBB] =	sst s10  }
0x35: {  	s10 =	sld [smem:$0x3FBA];
	_ =	sdelay $0x3  }
0x36: {  	p1 =	seq.s32 s10, $0x1;
	s10 =	sld [smem:$0x3FBB];
	_ =	sdelay $0x3  }
0x37: {  	[smem:$0x3FBB] =	sst s10  }
0x38: {  	s10 =	sld [smem:$0x3FBC]  }
0x39: {  	_ = 	snop;
	(pc) =	sbr.ind lr, $3  }
0x3a: {  	_ = 	snop  }
0x3b: {  	_ = 	snop  }
0x3c: {  	p2 =	seq.s32 s10, $0x1;
	s10 =	sld [smem:$0x3FBB]  }
0x3d: {  	_ =	shalt  }
0x3e: {  	_ =	shalt  }
0x3f: {  	_ =	shalt  }
0x40: {  	_ =	shalt  }
0x41: {  	_ =	shalt  }
0x42: {  	_ =	shalt  }
0x43: {  	_ =	shalt  }
0x44: {  	_ =	shalt  }
0x45: {  	_ =	shalt  }
0x46: {  	_ =	shalt  }
0x47: {  	_ =	shalt  }
0x48: {  	_ =	shalt  }
0x49: {  	_ =	shalt  }
0x4a: {  	_ =	shalt  }
0x4b: {  	_ =	shalt  }
0x4c: {  	_ =	shalt  }
0x4d: {  	_ =	shalt  }
0x4e: {  	_ =	shalt  }
0x4f: {  	_ =	shalt  }
0x50: {  	_ =	shalt  }
0x51: {  	_ =	shalt  }
0x52: {  	_ =	shalt  }
0x53: {  	_ =	shalt  }
0x54: {  	_ =	shalt  }
0x55: {  	_ =	shalt  }
0x56: {  	_ =	shalt  }
0x57: {  	_ =	shalt  }
0x58: {  	_ =	shalt  }
0x59: {  	_ =	shalt  }
0x5a: {  	_ =	shalt  }
0x5b: {  	_ =	shalt  }
0x5c: {  	_ =	shalt  }
0x5d: {  	_ =	shalt  }
0x5e: {  	_ =	shalt  }
0x5f: {  	_ =	shalt  }
0x60: {  	_ =	shalt  }
0x61: {  	_ =	shalt  }
0x62: {  	_ =	shalt  }
0x63: {  	_ =	shalt  }
0x64: {  	_ =	shalt  }
0x65: {  	_ =	shalt  }
0x66: {  	_ =	shalt  }
0x67: {  	_ =	shalt  }
0x68: {  	_ =	shalt  }
0x69: {  	_ =	shalt  }
0x6a: {  	_ =	shalt  }
0x6b: {  	_ =	shalt  }
0x6c: {  	_ =	shalt  }
0x6d: {  	_ =	shalt  }
0x6e: {  	_ =	shalt  }
0x6f: {  	_ =	shalt  }
0x70: {  	_ =	shalt  }
0x71: {  	_ =	shalt  }
0x72: {  	_ =	shalt  }
0x73: {  	_ =	shalt  }
0x74: {  	_ =	shalt  }
0x75: {  	_ =	shalt  }
0x76: {  	_ =	shalt  }
0x77: {  	_ =	shalt  }
0x78: {  	_ =	shalt  }
0x79: {  	_ =	shalt  }
0x7a: {  	_ =	shalt  }
0x7b: {  	_ =	shalt  }
0x7c: {  	_ =	shalt  }
0x7d: {  	_ =	shalt  }
0x7e: {  	_ =	shalt  }
0x7f: {  	_ =	shalt  }
0x80: {  	_ =	shalt  }
0x81: {  	_ =	shalt  }
0x82: {  	_ =	shalt  }
0x83: {  	_ =	shalt  }
0x84: {  	_ =	shalt  }
0x85: {  	_ =	shalt  }
0x86: {  	_ =	shalt  }
0x87: {  	_ =	shalt  }
.Lfunc_end0:
.L_simem_size_0:
called_computation_lowered:
.L_overlay_start_0:
0x88: {  	s2 =	sld [smem:$0x3FD9]  }
0x89: {  	s3 =	sld [smem:$0x3FFE];
	_ =	sdelay $0x1  }
0x8a: {  	s1 =	srdreg.scid  }
0x8b: {  	s0 =	sand.u32 $0x1, s1  }
0x8c: {  	s17 =	sshll.u32 s0, $0xA;
	s2 =	sadd.s32 s3, s2  }
0x8d: {  	s2 =	sadd.s32 s2, s17  }
0x8e: {  	[smem:$0x3FC7] =	sst s2  }
0x8f: {  	_ = 	snop  }
0x90: {  	s2 =	sld [smem:$0x3FD0];
	(tm) =	ssettm $0x1  }
0x91: {  	s18 =	sld [smem:$0x3FFB];
	_ =	sdelay $0x3  }
0x92: {  	_ =	strace s18  }
0x93: {  	s3 =	sld [smem:$0x3FFC];
	_ =	sdelay $0x3  }
0x94: {  	_ =	strace s3  }
0x95: {  	s3 =	sld [smem:$0x3FFD];
	_ =	sdelay $0x3  }
0x96: {  	_ =	strace s3  }
0x97: {  	_ =	strace $0x8FFFFFFF  }
0x98: {  	s19 =	sld [smem:$0x3FDB];
	_ =	sdelay $0x1  }
0x99: {  	s4 =	simm.s32 $_scs_section_size  }
0x9a: {  	s5 =	simm.s32 $_size__tile_overlayer_lowered;
	s6 =	simm.s32 $_tile_overlayer_lowered  }
0x9b: {  	s22 =	simm.s32 $0x1BFF;
	s21 =	sshll.u32 s6, $0x1;
	s3 =	sadd.s32 s4, s19  }
0x9c: {  	s7 =	simm.s32 $0x0;
	s20 =	sshll.u32 s5, $0x1;
	s5 =	sadd.s32 s21, s3  }
0x9d: {  	[timem:s7], [sflag:s22] =	dma.local [hbm:s5], s20  }
0x9e: {  	_ =	swait.ge [sflag:s22], s20  }
0x9f: {  	s4 =	ssub.s32 $0x0, s20;
	[sflag:s22] =	ssyncset.done $0x0  }
0xa0: {  	[sflag:s22] =	ssyncadd.s32 s4;
	_ =	sdelay $0x1  }
0xa1: {  	s23 =	simm.s32 $0x1B8B  }
0xa2: {  	_ =	swait.ge [sflag:s23], $0x1  }
0xa3: {  	[sflag:s23] =	ssyncset.done $0x0  }
0xa4: {  	s25 =	simm.s32 $0x1B8E;
	s24 =	sld [smem:$0x3FFE];
	[sflag:s23] =	ssyncadd.s32 $0xFFFFFFFF  }
0xa5: {  	s26 =	simm.s32 $execute0_lowered;
	[smem:$0x3FD2] =	sst s25  }
0xa6: {  	s5 =	sshll.u32 s26, $0x1;
	_ =	strace $0x80000046;
	[dreg:$0x1] =	wrdreg $0xFFFFFFFF  }
0xa7: {  	s28 =	simm.s32 $_size_execute0_lowered;
	s3 =	sadd.s32 s3, s5;
	[dreg:$0x0] =	wrdreg $0x0  }
0xa8: {  	s5 =	sshll.u32 s28, $0x1;
	[dreg:$0x2] =	wrdreg s3  }
0xa9: {  	[dreg:$0x3] =	wrdreg s5  }
0xaa: {  	[dreg:$0x4] =	wrdreg $0xC0  }
0xab: {  	_ =	task [dreg:s7], $0x5FFFF  }
0xac: {  	[dreg:$0x1] =	wrdreg $0xFFFFFFFF  }
0xad: {  	[dreg:$0x0] =	wrdreg $0x60  }
0xae: {  	[dreg:$0x2] =	wrdreg s24  }
0xaf: {  	[dreg:$0x3] =	wrdreg s2  }
0xb0: {  	[dreg:$0x4] =	wrdreg $0x9  }
0xb1: {  	_ =	task.clear_ibuf [dreg:s7], $0x5FFFF;
	_ =	strace $0x90000046  }
0xb2: {  	s29 =	simm.s32 $0x9;
	_ =	strace $0x80000048  }
0xb3: {  	_ =	swait.ge [sflag:s29], $0x1  }
0xb4: {  	[sflag:s29] =	ssyncadd.s32 $0xFFFFFFFF  }
0xb5: {  	_ =	strace $0x90000048  }
0xb6: {  	_ =	sfence  }
0xb7: {  	s30 =	sld [smem:$0x0];
	_ =	sdelay $0x2  }
0xb8: {  	s31 =	sshll.u32 s1, $0xD;
	s1 =	sshrl.u32 s1, $0x2  }
0xb9: {  	s3 =	sand.u32 $0x4000, s31;
	s1 =	sadd.s32 s1, s30  }
0xba: {  	s0 =	sor.u32 s3, s0;
	s1 =	sshll.u32 s1, $0x11  }
0xbb: {  	s0 =	sor.u32 s1, s0  }
0xbc: {  	s0 =	sadd.s32 $0x8F2B, s0  }
0xbd: {  	[sflag:s0] =	ssyncadd.remote.s32 $0x1  }
0xbe: {  	_ =	sfence.sel $0xFFFF  }
0xbf: {  	[dreg:$0x0] =	wrdreg $0xFFFFFFFF;
	(pc) =	sbr.abs _section_cstart, $3  }
0xc0: {  	[dreg:$0x1] =	wrdreg $0xFFFFFFFF  }
0xc1: {  	_ =	task.clear_ibuf [dreg:s7], $0x2FFFF;
	_ =	strace $0x9FFFFFFF  }
0xc2: {  	(tm) =	ssettm $0x7FFFFFFF  }
0xc3: {  	_ =	shalt  }
tec
execute0_lowered:
.L_overlay_start_1:
0x0: {  	(tag) =	ssettag $0x1  }
0x1: {  	s1 =	srdreg.scid;
	s0 =	stileid.u32  }
0x2: {  	s31 =	sand.u32 $0x1, s1;
	s26 =	sshll.u32 s0, $0x1  }
0x3: {  	s5 =	rddreg [dreg:$0x0];
	s23 =	sor.u32 s31, s26  }
0x4: {  	s22 =	rddreg [dreg:$0x1];
	s2 =	simm.s32 $0x0;
	s3 =	sshll.u32 s23, $0x7  }
0x5: {  	[smem:$0x7FF] =	sst s2;
	s3 =	sadd.s32 s3, s5  }
0x6: {  	s4 =	simm.s32 $0xA;
	_ =	strace $0x80000047;
	s3 =	sadd.s32 $0x8E00, s3  }
0x7: {  	[tilespmem:s2], [sflag:$0xA] =	stream.linear.gather [hbm4b:s3+s2], $0x400, $0x38;
	[tilespmem:$0x8400] =	vst v63  }
0x8: {  	_ =	swait.ge [sflag:s4], $0x400  }
0x9: {  	s6 =	simm.s32 $0x80;
	[sflag:s4] =	ssyncset.done $0x0  }
0xa: {  	s7 =	simm.s32 $0x400;
	s5 =	sadd.s32 $0xE00, s5;
	[sflag:s4] =	ssyncadd.s32 $0xFFFFFC00  }
0xb: {  	[tilespmem:s7], [sflag:$0x1] =	stream.indirect.gather [hbm4b:s5+s6], $0x40, s2, s6, $0xb8;
	[tilespmem:$0x8400] =	vst v63  }
0xc: {  	s8 =	simm.s32 $0x100;
	s9 =	simm.s32 $0x2400  }
0xd: {  	[tilespmem:s9], [sflag:$0x2] =	stream.indirect.gather [hbm4b:s5+s6], $0x40, s8, s6, $0xb8;
	[tilespmem:$0x8400] =	vst v63  }
0xe: {  	s10 =	simm.s32 $0x200;
	s11 =	simm.s32 $0x4400  }
0xf: {  	[tilespmem:s11], [sflag:$0x3] =	stream.indirect.gather [hbm4b:s5+s6], $0x40, s10, s6, $0xb8;
	[tilespmem:$0x8400] =	vst v63  }
0x10: {  	s12 =	simm.s32 $0x300;
	s13 =	simm.s32 $0x6400;
	s14 =	simm.s32 $0x1  }
0x11: {  	[tilespmem:s13], [sflag:$0x4] =	stream.indirect.gather [hbm4b:s5+s6], $0x40, s12, s6, $0xb8;
	[tilespmem:$0x8400] =	vst v63  }
0x12: {  	_ =	swait.ge [sflag:s14], $0x2000  }
0x13: {  	[sflag:s14] =	ssyncset.done $0x0  }
0x14: {  	s15 =	simm.s32 $0x2;
	[sflag:s14] =	ssyncadd.s32 $0xFFFFE000  }
0x15: {  	[tilespmem:s7], [sflag:$0x5] =	stream.indirect.gather.add.f32 [hbm:s5], $0x40, s6, s6, $0xb8;
	[tilespmem:$0x8400] =	vst v63  }
0x16: {  	_ =	swait.ge [sflag:s15], $0x2000  }
0x17: {  	[sflag:s15] =	ssyncset.done $0x0  }
0x18: {  	s16 =	simm.s32 $0x180;
	s17 =	simm.s32 $0x3;
	[sflag:s15] =	ssyncadd.s32 $0xFFFFE000  }
0x19: {  	[tilespmem:s9], [sflag:$0x6] =	stream.indirect.gather.add.f32 [hbm:s5], $0x40, s16, s6, $0xb8;
	[tilespmem:$0x8400] =	vst v63  }
0x1a: {  	_ =	swait.ge [sflag:s17], $0x2000  }
0x1b: {  	[sflag:s17] =	ssyncset.done $0x0  }
0x1c: {  	s18 =	simm.s32 $0x280;
	s19 =	simm.s32 $0x4;
	[sflag:s17] =	ssyncadd.s32 $0xFFFFE000  }
0x1d: {  	[tilespmem:s11], [sflag:$0x7] =	stream.indirect.gather.add.f32 [hbm:s5], $0x40, s18, s6, $0xb8;
	[tilespmem:$0x8400] =	vst v63  }
0x1e: {  	_ =	swait.ge [sflag:s19], $0x2000  }
0x1f: {  	[sflag:s19] =	ssyncset.done $0x0  }
0x20: {  	s20 =	simm.s32 $0x380;
	s21 =	simm.s32 $0x5;
	[sflag:s19] =	ssyncadd.s32 $0xFFFFE000  }
0x21: {  	[tilespmem:s13], [sflag:$0x8] =	stream.indirect.gather.add.f32 [hbm:s5], $0x40, s20, s6, $0xb8;
	[tilespmem:$0x8400] =	vst v63  }
0x22: {  	_ =	swait.ge [sflag:s21], $0x2000  }
0x23: {  	s23 =	sshll.u32 s23, $0xC;
	[sflag:s21] =	ssyncset.done $0x0  }
0x24: {  	s22 =	sadd.s32 s22, s23;
	s23 =	simm.s32 $0x6;
	[sflag:s21] =	ssyncadd.s32 $0xFFFFE000  }
0x25: {  	[hbm4b:s22+s2] =	stream.linear.scatter [tilespmem:s7], [sflag:$0x9], $0x2000, $0x38;
	[tilespmem:$0x8400] =	vst v63  }
0x26: {  	_ =	swait.ge [sflag:s23], $0x2000  }
0x27: {  	[sflag:s23] =	ssyncset.done $0x0  }
0x28: {  	s25 =	simm.s32 $0x7;
	s24 =	sadd.s32 $0x400, s22;
	[sflag:s23] =	ssyncadd.s32 $0xFFFFE000  }
0x29: {  	[hbm4b:s24+s2] =	stream.linear.scatter [tilespmem:s9], [sflag:$0x9], $0x2000, $0x38;
	[tilespmem:$0x8400] =	vst v63  }
0x2a: {  	_ =	swait.ge [sflag:s25], $0x2000  }
0x2b: {  	[sflag:s25] =	ssyncset.done $0x0  }
0x2c: {  	s28 =	simm.s32 $0x8;
	s26 =	sadd.s32 $0x800, s22;
	[sflag:s25] =	ssyncadd.s32 $0xFFFFE000  }
0x2d: {  	[hbm4b:s26+s2] =	stream.linear.scatter [tilespmem:s11], [sflag:$0x9], $0x2000, $0x38;
	[tilespmem:$0x8400] =	vst v63  }
0x2e: {  	_ =	swait.ge [sflag:s28], $0x2000  }
0x2f: {  	[sflag:s28] =	ssyncset.done $0x0  }
0x30: {  	s30 =	simm.s32 $0x9;
	s29 =	sadd.s32 $0xC00, s22;
	[sflag:s28] =	ssyncadd.s32 $0xFFFFE000  }
0x31: {  	[hbm4b:s29+s2] =	stream.linear.scatter [tilespmem:s13], [sflag:$0x9], $0x2000, $0x38;
	[tilespmem:$0x8400] =	vst v63  }
0x32: {  	_ =	swait.ge [sflag:s30], $0x2000  }
0x33: {  	s31 =	ssub.s32 $0x2, s31;
	[sflag:s30] =	ssyncset.done $0x0  }
0x34: {  	s1 =	sshrl.u32 s31, $0x1;
	[sflag:s30] =	ssyncadd.s32 $0xFFFFE000  }
0x35: {  	s1 =	ssub.s32 s31, s1;
	_ =	swait.ge [sflag:s30], $0x2000  }
0x36: {  	s1 =	smax.u32 s1, $0x1;
	[sflag:s30] =	ssyncset.done $0x0  }
0x37: {  	p0 =	sne.s32 s1, $0x1;
	[sflag:s30] =	ssyncadd.s32 $0xFFFFE000  }
.Ltmp0:
0x38: {  	_ =	swait.ge [sflag:s30], $0x2000;
	(pc) =	sbr.rel @!p0 .LBB2_2-.Ltmp0, $4  }
0x39: {  	[sflag:s30] =	ssyncset.done $0x0  }
0x3a: {  	[sflag:s30] =	ssyncadd.s32 $0xFFFFE000  }
0x3b: {  	_ =	swait.ge [sflag:s30], $0x2000  }
0x3c: {  	s31 =	sadd.s32 $0xFFFFFFFF, s1;
	[sflag:s30] =	ssyncset.done $0x0  }
.LBB2_1:
0x3d: {  	p0 =	sne.s32 s31, $0x1;
	s31 =	sadd.s32 $0xFFFFFFFF, s31;
	[sflag:s30] =	ssyncadd.s32 $0xFFFFE000  }
0x3e: {  	[tilespmem:s2], [sflag:$0xA] =	stream.linear.gather [hbm4b:s3+s2], $0x400, $0x38;
	[tilespmem:$0x8400] =	vst v63  }
0x3f: {  	_ =	swait.ge [sflag:s4], $0x400  }
0x40: {  	[sflag:s4] =	ssyncset.done $0x0  }
0x41: {  	[sflag:s4] =	ssyncadd.s32 $0xFFFFFC00  }
0x42: {  	[tilespmem:s7], [sflag:$0x1] =	stream.indirect.gather [hbm4b:s5+s6], $0x40, s2, s6, $0xb8;
	[tilespmem:$0x8400] =	vst v63  }
0x43: {  	_ = 	snop  }
0x44: {  	[tilespmem:s9], [sflag:$0x2] =	stream.indirect.gather [hbm4b:s5+s6], $0x40, s8, s6, $0xb8;
	[tilespmem:$0x8400] =	vst v63  }
0x45: {  	_ = 	snop  }
0x46: {  	[tilespmem:s11], [sflag:$0x3] =	stream.indirect.gather [hbm4b:s5+s6], $0x40, s10, s6, $0xb8;
	[tilespmem:$0x8400] =	vst v63  }
0x47: {  	_ = 	snop  }
0x48: {  	[tilespmem:s13], [sflag:$0x4] =	stream.indirect.gather [hbm4b:s5+s6], $0x40, s12, s6, $0xb8;
	[tilespmem:$0x8400] =	vst v63  }
0x49: {  	_ =	swait.ge [sflag:s14], $0x2000  }
0x4a: {  	[sflag:s14] =	ssyncset.done $0x0  }
0x4b: {  	[sflag:s14] =	ssyncadd.s32 $0xFFFFE000  }
0x4c: {  	[tilespmem:s7], [sflag:$0x5] =	stream.indirect.gather.add.f32 [hbm:s5], $0x40, s6, s6, $0xb8;
	[tilespmem:$0x8400] =	vst v63  }
0x4d: {  	_ =	swait.ge [sflag:s15], $0x2000  }
0x4e: {  	[sflag:s15] =	ssyncset.done $0x0  }
0x4f: {  	[sflag:s15] =	ssyncadd.s32 $0xFFFFE000  }
0x50: {  	[tilespmem:s9], [sflag:$0x6] =	stream.indirect.gather.add.f32 [hbm:s5], $0x40, s16, s6, $0xb8;
	[tilespmem:$0x8400] =	vst v63  }
0x51: {  	_ =	swait.ge [sflag:s17], $0x2000  }
0x52: {  	[sflag:s17] =	ssyncset.done $0x0  }
0x53: {  	[sflag:s17] =	ssyncadd.s32 $0xFFFFE000  }
0x54: {  	[tilespmem:s11], [sflag:$0x7] =	stream.indirect.gather.add.f32 [hbm:s5], $0x40, s18, s6, $0xb8;
	[tilespmem:$0x8400] =	vst v63  }
0x55: {  	_ =	swait.ge [sflag:s19], $0x2000  }
0x56: {  	[sflag:s19] =	ssyncset.done $0x0  }
0x57: {  	[sflag:s19] =	ssyncadd.s32 $0xFFFFE000  }
0x58: {  	[tilespmem:s13], [sflag:$0x8] =	stream.indirect.gather.add.f32 [hbm:s5], $0x40, s20, s6, $0xb8;
	[tilespmem:$0x8400] =	vst v63  }
0x59: {  	_ =	swait.ge [sflag:s21], $0x2000  }
0x5a: {  	[sflag:s21] =	ssyncset.done $0x0  }
0x5b: {  	[sflag:s21] =	ssyncadd.s32 $0xFFFFE000  }
0x5c: {  	[hbm4b:s22+s2] =	stream.linear.scatter [tilespmem:s7], [sflag:$0x9], $0x2000, $0x38;
	[tilespmem:$0x8400] =	vst v63  }
0x5d: {  	_ =	swait.ge [sflag:s23], $0x2000  }
0x5e: {  	[sflag:s23] =	ssyncset.done $0x0  }
0x5f: {  	[sflag:s23] =	ssyncadd.s32 $0xFFFFE000  }
0x60: {  	[hbm4b:s24+s2] =	stream.linear.scatter [tilespmem:s9], [sflag:$0x9], $0x2000, $0x38;
	[tilespmem:$0x8400] =	vst v63  }
0x61: {  	_ =	swait.ge [sflag:s25], $0x2000  }
0x62: {  	[sflag:s25] =	ssyncset.done $0x0  }
0x63: {  	[sflag:s25] =	ssyncadd.s32 $0xFFFFE000  }
0x64: {  	[hbm4b:s26+s2] =	stream.linear.scatter [tilespmem:s11], [sflag:$0x9], $0x2000, $0x38;
	[tilespmem:$0x8400] =	vst v63  }
0x65: {  	_ =	swait.ge [sflag:s28], $0x2000  }
0x66: {  	[sflag:s28] =	ssyncset.done $0x0  }
0x67: {  	[sflag:s28] =	ssyncadd.s32 $0xFFFFE000  }
0x68: {  	[hbm4b:s29+s2] =	stream.linear.scatter [tilespmem:s13], [sflag:$0x9], $0x2000, $0x38;
	[tilespmem:$0x8400] =	vst v63  }
0x69: {  	_ =	swait.ge [sflag:s30], $0x2000  }
0x6a: {  	[sflag:s30] =	ssyncset.done $0x0  }
0x6b: {  	[sflag:s30] =	ssyncadd.s32 $0xFFFFE000  }
0x6c: {  	_ =	swait.ge [sflag:s30], $0x2000  }
0x6d: {  	[sflag:s30] =	ssyncset.done $0x0  }
0x6e: {  	[sflag:s30] =	ssyncadd.s32 $0xFFFFE000  }
.Ltmp1:
0x6f: {  	_ =	swait.ge [sflag:s30], $0x2000;
	(pc) =	sbr.rel @p0 .LBB2_1-.Ltmp1, $4  }
0x70: {  	[sflag:s30] =	ssyncset.done $0x0  }
0x71: {  	[sflag:s30] =	ssyncadd.s32 $0xFFFFE000  }
0x72: {  	_ =	swait.ge [sflag:s30], $0x2000  }
0x73: {  	[sflag:s30] =	ssyncset.done $0x0  }
.LBB2_2:
0x74: {  	[sflag:s30] =	ssyncadd.s32 $0xFFFFE000  }
0x75: {  	_ =	sfence.sel $0x180000  }
0x76: {  	[bflag:$0x0] =	sbarrier.arrive $0xFFFF  }
0x77: {  	_ =	strace $0x90000047  }
0x78: {  	[bflag:$0x2] =	sbarrier.arrive $0xFFFF  }
0x79: {  	p0 =	sne.s32 s0, $0x0;
	s0 =	rddreg [dreg:$0x2]  }
0x7a: {  	s0 =	sadd.s32 @!p0 $0x100000, s0  }
0x7b: {  	[sflag:s0] =	ssyncadd.tile.s32 @!p0 $0x1;
	_ =	shalt  }
.Lfunc_end2:
_tile_overlayer_lowered:
.L_overlay_start_2:
0x7c: {  	(tag) =	ssettag $0x2  }
0x7d: {  	s0 =	rddreg [dreg:$0x0];
	s2 =	stileid.u32  }
0x7e: {  	s1 =	rddreg [dreg:$0x1];
	p0 =	sne.s32 s2, $0x0  }
0x7f: {  	s3 =	rddreg [dreg:$0x2];
	[bflag:$0x3] =	sbarrier.arrive $0xFFFF;
	s2 =	simm.s32 @!p0 $0x1C0A  }
0x80: {  	[timem:s3], [sflag:s2] =	dma.local @!p0 [hbm:s0], s1  }
0x81: {  	s0 =	simm.s32 @!p0 $0xA  }
0x82: {  	_ =	swait.ge @!p0 [sflag:s0], s1  }
0x83: {  	s1 =	ssub.s32 @!p0 $0x0, s1;
	[sflag:s0] =	ssyncset.done @!p0 $0x0  }
0x84: {  	[sflag:s0] =	ssyncadd.s32 @!p0 s1  }
0x85: {  	[bflag:$0x3] =	sbarrier.arrive $0xFFFF  }
0x86: {  	_ =	shalt  }

</sc_bundles>
